<compile_context>
chip_gen: v7x
topology: tpu7x:2x2x1
jax: 0.10.2.dev20260603
libtpu: 0.0.44.dev20260713+nightly
codegen_flags: <defaults>
</compile_context>

<pallas_src>
import functools

import jax
import jax.numpy as jnp
from jax import lax
from jax.experimental import pallas as pl
from jax.experimental.pallas import tpu as pltpu
import jax.experimental.pallas.tpu_sc as plsc

B = 8
N = 4096
NP = 512
S = 32
RADIUS = 0.2
ROWS = B * NP * S
KPAD = 128


def _fps_body(xs_ref, ys_ref, zs_ref, oc_ref):
    xs = xs_ref[:, 0, :]
    ys = ys_ref[:, 0, :]
    zs = zs_ref[:, 0, :]
    iota = lax.broadcasted_iota(jnp.int32, (B, N), 1)
    col = lax.broadcasted_iota(jnp.int32, (B, NP), 1)
    oc_ref[...] = jnp.zeros((B, 3, NP), jnp.float32)

    def body(i, carry):
        dist, far = carry
        onehot = iota == far
        cx = jnp.sum(jnp.where(onehot, xs, 0.0), axis=1, keepdims=True)
        cy = jnp.sum(jnp.where(onehot, ys, 0.0), axis=1, keepdims=True)
        cz = jnp.sum(jnp.where(onehot, zs, 0.0), axis=1, keepdims=True)
        colm = col == i
        oc_ref[:, 0, :] += jnp.where(colm, cx, 0.0)
        oc_ref[:, 1, :] += jnp.where(colm, cy, 0.0)
        oc_ref[:, 2, :] += jnp.where(colm, cz, 0.0)
        dx = xs - cx
        dy = ys - cy
        dz = zs - cz
        d = (dx * dx + dy * dy) + dz * dz
        dist = jnp.minimum(dist, d)
        mx = jnp.max(dist, axis=1, keepdims=True)
        far = jnp.min(jnp.where(dist == mx, iota, N), axis=1, keepdims=True)
        return dist, far

    dist0 = jnp.full((B, N), 1e10, jnp.float32)
    far0 = jnp.zeros((B, 1), jnp.int32)
    lax.fori_loop(0, NP, body, (dist0, far0))


def _run_fps(xs, ys, zs):
    return pl.pallas_call(
        _fps_body,
        out_shape=jax.ShapeDtypeStruct((B, 3, NP), jnp.float32),
    )(xs, ys, zs)


TQ = 128


def _bq_body(xs_ref, ys_ref, zs_ref, c_ref, g_ref):
    b = pl.program_id(0)
    x = xs_ref[0]
    y = ys_ref[0]
    z = zs_ref[0]
    c = c_ref[0]
    dx = c[:, 0:1] - x
    dy = c[:, 1:2] - y
    dz = c[:, 2:3] - z
    d2 = (dx * dx + dy * dy) + dz * dz
    rank = (d2 < RADIUS * RADIUS).astype(jnp.int32)
    s = 1
    while s < N:
        rank = rank + jnp.pad(rank, ((0, 0), (s, 0)))[:, :N]
        s *= 2
    kiota = lax.broadcasted_iota(jnp.int32, (TQ, S), 1)
    gacc = jnp.zeros((TQ, S), jnp.int32)
    for k in range(S):
        cnt = jnp.sum((rank <= k).astype(jnp.int32), axis=1, keepdims=True)
        gacc += jnp.where(kiota == k, cnt, 0)
    gacc = jnp.where(gacc == N, 0, gacc)
    g_ref[0] = gacc + b * N


def _run_ballquery(xs, ys, zs, cents):
    return pl.pallas_call(
        _bq_body,
        grid=(B, NP // TQ),
        in_specs=[
            pl.BlockSpec((1, 1, N), lambda b, q: (b, 0, 0)),
            pl.BlockSpec((1, 1, N), lambda b, q: (b, 0, 0)),
            pl.BlockSpec((1, 1, N), lambda b, q: (b, 0, 0)),
            pl.BlockSpec((1, TQ, 3), lambda b, q: (b, q, 0)),
        ],
        out_specs=pl.BlockSpec((1, TQ, S), lambda b, q: (b, q, 0)),
        out_shape=jax.ShapeDtypeStruct((B, NP, S), jnp.int32),
    )(xs, ys, zs, cents)


def _run_sc_gather(ptab, xtab, fidx):
    info = plsc.get_sparse_core_info()
    nw = info.num_cores * info.num_subcores
    rows_w = ROWS // nw
    chunk = 128
    nchunk = rows_w // chunk
    mesh = plsc.VectorSubcoreMesh(core_axis_name="c", subcore_axis_name="s")

    @functools.partial(
        pl.kernel,
        mesh=mesh,
        compiler_params=pltpu.CompilerParams(use_tc_tiling_on_sc=False),
        out_type=[
            jax.ShapeDtypeStruct((ROWS, 64), jnp.float32),
            jax.ShapeDtypeStruct((ROWS, 16), jnp.float32),
        ],
        scratch_types=[
            pltpu.VMEM((chunk,), jnp.int32),
            pltpu.VMEM((chunk, 64), jnp.float32),
            pltpu.VMEM((chunk, 16), jnp.float32),
            pltpu.SemaphoreType.DMA,
        ],
    )
    def k(ptab_hbm, xtab_hbm, idx_hbm, op_hbm, ox_hbm, idx_v, pv, xv, sem):
        wid = lax.axis_index("s") * info.num_cores + lax.axis_index("c")

        def body(c, _):
            base = wid * rows_w + c * chunk
            pltpu.sync_copy(idx_hbm.at[pl.ds(base, chunk)], idx_v)
            cp = pltpu.async_copy(ptab_hbm.at[idx_v], pv, sem)
            cx = pltpu.async_copy(xtab_hbm.at[idx_v], xv, sem)
            cp.wait()
            cx.wait()
            pltpu.sync_copy(pv, op_hbm.at[pl.ds(base, chunk)])
            pltpu.sync_copy(xv, ox_hbm.at[pl.ds(base, chunk)])
            return 0

        lax.fori_loop(0, nchunk, body, 0)

    return k(ptab, xtab, fidx)


MT = 512
GRID_M = ROWS // MT
MT2 = 2048
GRID_M2 = ROWS // MT2


def _mm0_body(gp_ref, gx_ref, ct_ref, wp_ref, wx_ref, y_ref, st_ref):
    y = jnp.dot(gp_ref[...], wp_ref[...], preferred_element_type=jnp.float32)
    y += jnp.dot(gx_ref[...], wx_ref[...], preferred_element_type=jnp.float32)
    adj = jnp.dot(ct_ref[...], wx_ref[...], preferred_element_type=jnp.float32)
    adjr = jnp.reshape(
        jnp.broadcast_to(adj[:, None, :], (MT // S, S, adj.shape[1])),
        (MT, adj.shape[1]),
    )
    y = y - adjr
    y_ref[...] = y

    @pl.when(pl.program_id(0) == 0)
    def _():
        st_ref[...] = jnp.zeros_like(st_ref)

    part = jnp.concatenate(
        [jnp.sum(y, 0, keepdims=True), jnp.sum(y * y, 0, keepdims=True)], axis=0
    )
    st_ref[0:2, :] += part


def _run_mm0(gp, gx, ctab, w0p, w0x, co):
    return pl.pallas_call(
        _mm0_body,
        grid=(GRID_M,),
        in_specs=[
            pl.BlockSpec((MT, 64), lambda t: (t, 0)),
            pl.BlockSpec((MT, 16), lambda t: (t, 0)),
            pl.BlockSpec((MT // S, 16), lambda t: (t, 0)),
            pl.BlockSpec((64, co), lambda t: (0, 0)),
            pl.BlockSpec((16, co), lambda t: (0, 0)),
        ],
        out_specs=[
            pl.BlockSpec((MT, co), lambda t: (t, 0)),
            pl.BlockSpec((8, co), lambda t: (0, 0)),
        ],
        out_shape=[
            jax.ShapeDtypeStruct((ROWS, co), jnp.float32),
            jax.ShapeDtypeStruct((8, co), jnp.float32),
        ],
    )(gp, gx, ctab, w0p, w0x)


def _mm_body(y_ref, st_ref, gb_ref, w_ref, o_ref, sto_ref):
    st = st_ref[...]
    m = st[0:1, :] * (1.0 / ROWS)
    ex2 = st[1:2, :] * (1.0 / ROWS)
    v = ex2 - m * m
    s = gb_ref[0:1, :] * lax.rsqrt(v + 1e-5)
    t = gb_ref[1:2, :] - m * s
    z = jnp.maximum(y_ref[...].astype(jnp.float32) * s + t, 0.0)
    o = jnp.dot(z, w_ref[...], preferred_element_type=jnp.float32)
    o_ref[...] = o

    @pl.when(pl.program_id(0) == 0)
    def _():
        sto_ref[...] = jnp.zeros_like(sto_ref)

    part = jnp.concatenate(
        [jnp.sum(o, 0, keepdims=True), jnp.sum(o * o, 0, keepdims=True)], axis=0
    )
    sto_ref[0:2, :] += part


def _run_mm(y, st, gb, w, ci, co):
    return pl.pallas_call(
        _mm_body,
        grid=(GRID_M2,),
        in_specs=[
            pl.BlockSpec((MT2, ci), lambda t: (t, 0)),
            pl.BlockSpec((8, ci), lambda t: (0, 0)),
            pl.BlockSpec((8, ci), lambda t: (0, 0)),
            pl.BlockSpec((ci, co), lambda t: (0, 0)),
        ],
        out_specs=[
            pl.BlockSpec((MT2, co), lambda t: (t, 0)),
            pl.BlockSpec((8, co), lambda t: (0, 0)),
        ],
        out_shape=[
            jax.ShapeDtypeStruct((ROWS, co), jnp.float32),
            jax.ShapeDtypeStruct((8, co), jnp.float32),
        ],
    )(y, st, gb, w)


FT = 4096


def _final_body(y_ref, st_ref, gb_ref, o_ref):
    st = st_ref[...]
    m = st[0:1, :] * (1.0 / ROWS)
    ex2 = st[1:2, :] * (1.0 / ROWS)
    v = ex2 - m * m
    s = gb_ref[0:1, :] * lax.rsqrt(v + 1e-5)
    t = gb_ref[1:2, :] - m * s
    z = jnp.maximum(y_ref[...].astype(jnp.float32) * s + t, 0.0)
    zr = jnp.reshape(z, (FT // S, S, z.shape[1]))
    o_ref[...] = jnp.max(zr, axis=1)


def _run_final(y, st, gb, co):
    return pl.pallas_call(
        _final_body,
        grid=(ROWS // FT,),
        in_specs=[
            pl.BlockSpec((FT, co), lambda t: (t, 0)),
            pl.BlockSpec((8, co), lambda t: (0, 0)),
            pl.BlockSpec((8, co), lambda t: (0, 0)),
        ],
        out_specs=pl.BlockSpec((FT // S, co), lambda t: (t, 0)),
        out_shape=jax.ShapeDtypeStruct((B * NP, co), jnp.float32),
    )(y, st, gb)


def kernel(xyz, points, W0, b0, g0, be0, W1, b1, g1, be1, W2, b2, g2, be2):
    f32 = jnp.float32
    xs = xyz[:, :, 0].reshape(B, 1, N)
    ys = xyz[:, :, 1].reshape(B, 1, N)
    zs = xyz[:, :, 2].reshape(B, 1, N)

    cents3 = _run_fps(xs, ys, zs)
    centroids = jnp.transpose(cents3, (0, 2, 1))

    gidx = _run_ballquery(xs, ys, zs, centroids)
    fidx = gidx.reshape(ROWS)

    ptab = points.reshape(B * N, 64)
    xtab = jnp.pad(xyz, ((0, 0), (0, 0), (0, 13))).reshape(B * N, 16)
    gp, gx = _run_sc_gather(ptab, xtab, fidx)

    ctab = jnp.pad(centroids, ((0, 0), (0, 0), (0, 13))).reshape(B * NP, 16)

    w0p = W0[:, 3:].T
    w0x = jnp.pad(W0[:, :3].T, ((0, 13), (0, 0)))
    gb0 = jnp.pad(jnp.stack([g0, be0]), ((0, 6), (0, 0)))
    gb1 = jnp.pad(jnp.stack([g1, be1]), ((0, 6), (0, 0)))
    gb2 = jnp.pad(jnp.stack([g2, be2]), ((0, 6), (0, 0)))

    y0, st0 = _run_mm0(gp, gx, ctab, w0p, w0x, 64)
    y1, st1 = _run_mm(y0, st0, gb0, W1.T.astype(f32), 64, 128)
    y2, st2 = _run_mm(y1, st1, gb1, W2.T.astype(f32), 128, 256)
    out = _run_final(y2, st2, gb2, 256)

    new_points = out.reshape(B, NP, 256)
    return centroids, new_points

# --- scband reference (transcript-rebuilt; emitter-appended) ---
"""Pipeline reference for scband-set-abstraction-38585986187947 (READ-ONLY COPY).

The authoritative reference and input builder live on the scoring server;
editing this copy changes nothing except your own understanding.
"""

import jax, jax.numpy as jnp
import numpy as np

NPOINT = 512
RADIUS = 0.2
MAX_SAMPLES = 32


def setup_inputs(seed: int = 0):
    key = jax.random.key(seed)
    ks = jax.random.split(key, 16)
    xyz = jax.random.uniform(ks[0], (8, 4096, 3), dtype=jnp.float32)
    points = jax.random.normal(ks[1], (8, 4096, 64), dtype=jnp.float32)
    chans = [67, 64, 128, 256]
    inp = {"xyz": xyz, "points": points}
    for i in range(3):
        fan_in = chans[i]
        inp[f"W{i}"] = jax.random.normal(ks[2 + i], (chans[i + 1], chans[i]), dtype=jnp.float32) * (1.0 / np.sqrt(fan_in))
        inp[f"b{i}"] = jnp.zeros((chans[i + 1],), jnp.float32)
        inp[f"g{i}"] = jnp.ones((chans[i + 1],), jnp.float32)
        inp[f"be{i}"] = jnp.zeros((chans[i + 1],), jnp.float32)
    return inp


def _fps(xyz, npoint):
    B, N, _ = xyz.shape
    def body(i, carry):
        cent, dist, far = carry
        cent = cent.at[:, i].set(far)
        c = xyz[jnp.arange(B), far][:, None, :]
        d = jnp.sum((xyz - c) ** 2, -1)
        dist = jnp.minimum(dist, d)
        far = jnp.argmax(dist, -1).astype(jnp.int32)
        return (cent, dist, far)
    cent = jnp.zeros((B, npoint), jnp.int32)
    dist = jnp.full((B, N), 1e10, jnp.float32)
    far = jnp.zeros((B,), jnp.int32)
    cent, _, _ = jax.lax.fori_loop(0, npoint, body, (cent, dist, far))
    return cent


def _forward(xyz, points, params):
    B, N, _ = xyz.shape
    cidx = _fps(jax.lax.stop_gradient(xyz), NPOINT)
    bidx = jnp.arange(B)[:, None]
    centroids = xyz[bidx, cidx]
    # ball query: first MAX_SAMPLES indices (ascending) within radius, pad with 0
    d = jnp.linalg.norm(centroids[:, :, None, :] - xyz[:, None, :, :], axis=-1)
    mask = d < RADIUS
    cand = jnp.where(mask, jnp.arange(N)[None, None, :], N)
    gidx = jnp.sort(cand, axis=-1)[:, :, :MAX_SAMPLES]
    gidx = jnp.where(gidx == N, 0, gidx)
    b3 = jnp.arange(B)[:, None, None]
    gxyz = xyz[b3, gidx] - centroids[:, :, None, :]
    gpts = points[b3, gidx]
    x = jnp.concatenate([gxyz, gpts], axis=-1)
    x = jnp.transpose(x, (0, 3, 1, 2))  # (B, C, npoint, S)
    for (W, b, g, be) in params:
        x = jnp.einsum('oc,bcns->bons', W, x) + b[None, :, None, None]
        m = x.mean(axis=(0, 2, 3), keepdims=True)
        v = x.var(axis=(0, 2, 3), keepdims=True)
        x = (x - m) / jnp.sqrt(v + 1e-5)
        x = x * g[None, :, None, None] + be[None, :, None, None]
        x = jax.nn.relu(x)
    new_points = jnp.max(x, axis=3)
    new_points = jnp.transpose(new_points, (0, 2, 1))
    return centroids, new_points


def reference(xyz, points, W0, b0, g0, be0, W1, b1, g1, be1, W2, b2, g2, be2):
    params = [(W0, b0, g0, be0), (W1, b1, g1, be1), (W2, b2, g2, be2)]
    return _forward(xyz, points, params)

if __name__ == "__main__":
    import jax
    _d = setup_inputs()
    print(jax.jit(kernel)(*tuple(_d.values())))

</pallas_src>

<mosaic_0001>
#map = affine_map<(d0, d1) -> (0, 0)>
#map1 = affine_map<(d0, d1) -> (0)>
module attributes {stable_mosaic.version = 14 : i64} {
  func.func @k(%arg0: i32, %arg1: i32, %arg2: memref<32768x64xf32, #tpu.memory_space<hbm>>, %arg3: memref<32768x16xf32, #tpu.memory_space<hbm>>, %arg4: memref<131072xi32, #tpu.memory_space<hbm>>, %arg5: memref<131072x64xf32, #tpu.memory_space<hbm>>, %arg6: memref<131072x16xf32, #tpu.memory_space<hbm>>, %arg7: memref<128xi32, #tpu.memory_space<vmem>>, %arg8: memref<128x64xf32, #tpu.memory_space<vmem>>, %arg9: memref<128x16xf32, #tpu.memory_space<vmem>>, %arg10: memref<!tpu.dma_semaphore, #tpu.memory_space<semaphore_mem>>) attributes {dimension_semantics = [#tpu.dimension_semantics<core_parallel>, #tpu.dimension_semantics<subcore_parallel>], iteration_bounds = array<i64: 2, 16>, scalar_prefetch = 0 : i64, scratch_operands = 4 : i64, tpu.core_type = #tpu.core_type<sc_vector_subcore>, window_params = [{transform_indices = #map}, {transform_indices = #map}, {transform_indices = #map1}, {transform_indices = #map}, {transform_indices = #map}]} {
    %mul3A = arith.constant 2 : i32
    %mul3A_0 = arith.muli %arg1, %mul3A : i32
    %add3A = arith.addi %mul3A_0, %arg0 : i32
    %scan3A = arith.constant 0 : i32
    %scan3A_1 = arith.constant 0 : i32
    %scan3A_2 = arith.constant 32 : i32
    %scan3A_3 = arith.addi %scan3A_1, %scan3A_2 : i32
    %scan3A_4 = arith.constant 1 : i32
    %scan3A_5 = scf.for %scan3A_7 = %scan3A_1 to %scan3A_3 step %scan3A_4 iter_args(%scan3A_8 = %scan3A) -> (i32)  : i32 {
      %mul3A_9 = arith.constant 4096 : i32
      %mul3A_10 = arith.muli %add3A, %mul3A_9 : i32
      %mul3A_11 = arith.constant 128 : i32
      %mul3A_12 = arith.muli %scan3A_7, %mul3A_11 : i32
      %add3A_13 = arith.addi %mul3A_10, %mul3A_12 : i32
      "tpu.region"() ({
        %run_scoped3A = tpu.sem_alloc : memref<!tpu.dma_semaphore, #tpu.memory_space<semaphore_mem>>
        %dma_start3A_25 = tpu.memref_slice %arg4[%add3A_13] : memref<131072xi32, #tpu.memory_space<hbm>> -> memref<128xi32, #tpu.memory_space<hbm>>
        %dma_start3A_26 = tpu.memref_slice %arg4[%add3A_13] : memref<131072xi32, #tpu.memory_space<hbm>> -> memref<128xi32, #tpu.memory_space<hbm>>
        tpu.enqueue_dma source(%dma_start3A_26 : memref<128xi32, #tpu.memory_space<hbm>>) target(%arg7 : memref<128xi32, #tpu.memory_space<vmem>>) target_semaphore(%run_scoped3A : memref<!tpu.dma_semaphore, #tpu.memory_space<semaphore_mem>>)
        %dma_wait3A_27 = tpu.memref_slice %arg4[%add3A_13] : memref<131072xi32, #tpu.memory_space<hbm>> -> memref<128xi32, #tpu.memory_space<hbm>>
        %dma_wait3A_28 = tpu.memref_slice %arg4[%add3A_13] : memref<131072xi32, #tpu.memory_space<hbm>> -> memref<128xi32, #tpu.memory_space<hbm>>
        tpu.wait_dma2 semaphore(%run_scoped3A : memref<!tpu.dma_semaphore, #tpu.memory_space<semaphore_mem>>) src(%dma_wait3A_28 : memref<128xi32, #tpu.memory_space<hbm>>) dst(%arg7 : memref<128xi32, #tpu.memory_space<vmem>>)
        tpu.yield
      }) : () -> ()
      %dma_start3A = arith.constant 0 : i32
      %dma_start3A_14 = arith.constant 0 : i32
      %dma_start3A_15 = tpu.memref_slice %arg2[%dma_start3A, %dma_start3A_14] : memref<32768x64xf32, #tpu.memory_space<hbm>> -> memref<32768x64xf32, #tpu.memory_space<hbm>>
      tpu.enqueue_indirect_dma source(%dma_start3A_15 : memref<32768x64xf32, #tpu.memory_space<hbm>>) target(%arg8 : memref<128x64xf32, #tpu.memory_space<vmem>>) offsets(%arg7 : memref<128xi32, #tpu.memory_space<vmem>>) semaphore(%arg10 : memref<!tpu.dma_semaphore, #tpu.memory_space<semaphore_mem>>)
      %dma_start3A_16 = arith.constant 0 : i32
      %dma_start3A_17 = arith.constant 0 : i32
      %dma_start3A_18 = tpu.memref_slice %arg3[%dma_start3A_16, %dma_start3A_17] : memref<32768x16xf32, #tpu.memory_space<hbm>> -> memref<32768x16xf32, #tpu.memory_space<hbm>>
      tpu.enqueue_indirect_dma source(%dma_start3A_18 : memref<32768x16xf32, #tpu.memory_space<hbm>>) target(%arg9 : memref<128x16xf32, #tpu.memory_space<vmem>>) offsets(%arg7 : memref<128xi32, #tpu.memory_space<vmem>>) semaphore(%arg10 : memref<!tpu.dma_semaphore, #tpu.memory_space<semaphore_mem>>)
      %dma_wait3A = arith.constant 0 : i32
      %dma_wait3A_19 = arith.constant 0 : i32
      %dma_wait3A_20 = tpu.memref_slice %arg2[%dma_wait3A, %dma_wait3A_19] : memref<32768x64xf32, #tpu.memory_space<hbm>> -> memref<32768x64xf32, #tpu.memory_space<hbm>>
      tpu.wait_indirect_dma semaphore(%arg10 : memref<!tpu.dma_semaphore, #tpu.memory_space<semaphore_mem>>) src(%dma_wait3A_20 : memref<32768x64xf32, #tpu.memory_space<hbm>>) dst(%arg8 : memref<128x64xf32, #tpu.memory_space<vmem>>)
      %dma_wait3A_21 = arith.constant 0 : i32
      %dma_wait3A_22 = arith.constant 0 : i32
      %dma_wait3A_23 = tpu.memref_slice %arg3[%dma_wait3A_21, %dma_wait3A_22] : memref<32768x16xf32, #tpu.memory_space<hbm>> -> memref<32768x16xf32, #tpu.memory_space<hbm>>
      tpu.wait_indirect_dma semaphore(%arg10 : memref<!tpu.dma_semaphore, #tpu.memory_space<semaphore_mem>>) src(%dma_wait3A_23 : memref<32768x16xf32, #tpu.memory_space<hbm>>) dst(%arg9 : memref<128x16xf32, #tpu.memory_space<vmem>>)
      "tpu.region"() ({
        %run_scoped3A = tpu.sem_alloc : memref<!tpu.dma_semaphore, #tpu.memory_space<semaphore_mem>>
        %dma_start3A_25 = arith.constant 0 : i32
        %dma_start3A_26 = tpu.memref_slice %arg5[%add3A_13, %dma_start3A_25] : memref<131072x64xf32, #tpu.memory_space<hbm>> -> memref<128x64xf32, #tpu.memory_space<hbm>>
        %dma_start3A_27 = arith.constant 0 : i32
        %dma_start3A_28 = tpu.memref_slice %arg5[%add3A_13, %dma_start3A_27] : memref<131072x64xf32, #tpu.memory_space<hbm>> -> memref<128x64xf32, #tpu.memory_space<hbm>>
        tpu.enqueue_dma source(%arg8 : memref<128x64xf32, #tpu.memory_space<vmem>>) target(%dma_start3A_28 : memref<128x64xf32, #tpu.memory_space<hbm>>) target_semaphore(%run_scoped3A : memref<!tpu.dma_semaphore, #tpu.memory_space<semaphore_mem>>)
        %dma_wait3A_29 = arith.constant 0 : i32
        %dma_wait3A_30 = tpu.memref_slice %arg5[%add3A_13, %dma_wait3A_29] : memref<131072x64xf32, #tpu.memory_space<hbm>> -> memref<128x64xf32, #tpu.memory_space<hbm>>
        %dma_wait3A_31 = arith.constant 0 : i32
        %dma_wait3A_32 = tpu.memref_slice %arg5[%add3A_13, %dma_wait3A_31] : memref<131072x64xf32, #tpu.memory_space<hbm>> -> memref<128x64xf32, #tpu.memory_space<hbm>>
        tpu.wait_dma2 semaphore(%run_scoped3A : memref<!tpu.dma_semaphore, #tpu.memory_space<semaphore_mem>>) src(%arg8 : memref<128x64xf32, #tpu.memory_space<vmem>>) dst(%dma_wait3A_32 : memref<128x64xf32, #tpu.memory_space<hbm>>)
        tpu.yield
      }) : () -> ()
      "tpu.region"() ({
        %run_scoped3A = tpu.sem_alloc : memref<!tpu.dma_semaphore, #tpu.memory_space<semaphore_mem>>
        %dma_start3A_25 = arith.constant 0 : i32
        %dma_start3A_26 = tpu.memref_slice %arg6[%add3A_13, %dma_start3A_25] : memref<131072x16xf32, #tpu.memory_space<hbm>> -> memref<128x16xf32, #tpu.memory_space<hbm>>
        %dma_start3A_27 = arith.constant 0 : i32
        %dma_start3A_28 = tpu.memref_slice %arg6[%add3A_13, %dma_start3A_27] : memref<131072x16xf32, #tpu.memory_space<hbm>> -> memref<128x16xf32, #tpu.memory_space<hbm>>
        tpu.enqueue_dma source(%arg9 : memref<128x16xf32, #tpu.memory_space<vmem>>) target(%dma_start3A_28 : memref<128x16xf32, #tpu.memory_space<hbm>>) target_semaphore(%run_scoped3A : memref<!tpu.dma_semaphore, #tpu.memory_space<semaphore_mem>>)
        %dma_wait3A_29 = arith.constant 0 : i32
        %dma_wait3A_30 = tpu.memref_slice %arg6[%add3A_13, %dma_wait3A_29] : memref<131072x16xf32, #tpu.memory_space<hbm>> -> memref<128x16xf32, #tpu.memory_space<hbm>>
        %dma_wait3A_31 = arith.constant 0 : i32
        %dma_wait3A_32 = tpu.memref_slice %arg6[%add3A_13, %dma_wait3A_31] : memref<131072x16xf32, #tpu.memory_space<hbm>> -> memref<128x16xf32, #tpu.memory_space<hbm>>
        tpu.wait_dma2 semaphore(%run_scoped3A : memref<!tpu.dma_semaphore, #tpu.memory_space<semaphore_mem>>) src(%arg9 : memref<128x16xf32, #tpu.memory_space<vmem>>) dst(%dma_wait3A_32 : memref<128x16xf32, #tpu.memory_space<hbm>>)
        tpu.yield
      }) : () -> ()
      %scan3A_24 = arith.constant 0 : i32
      scf.yield %scan3A_24 : i32
    }
    %scan3A_6 = arith.constant 32 : i32
    return
  }
}

module attributes {stable_mosaic.version = 14 : i64} {
  func.func @_fps_body(%arg0: memref<8x1x4096xf32, #tpu.memory_space<vmem>>, %arg1: memref<8x1x4096xf32, #tpu.memory_space<vmem>>, %arg2: memref<8x1x4096xf32, #tpu.memory_space<vmem>>, %arg3: memref<8x3x512xf32, #tpu.memory_space<vmem>>) attributes {dimension_semantics = [], scalar_prefetch = 0 : i64, scratch_operands = 0 : i64, tpu.core_type = #tpu.core_type<tc>} {
    %get3A = arith.constant 0 : index
    %get3A_0 = arith.constant 0 : index
    %get3A_1 = arith.constant 0 : index
    %get3A_2 = vector.load %arg0[%get3A, %get3A_0, %get3A_1] : memref<8x1x4096xf32, #tpu.memory_space<vmem>>, vector<8x1x4096xf32>
    %get3A_3 = vector.shape_cast %get3A_2 : vector<8x1x4096xf32> to vector<8x4096xf32>
    %get3A_4 = arith.constant 0 : index
    %get3A_5 = arith.constant 0 : index
    %get3A_6 = arith.constant 0 : index
    %get3A_7 = vector.load %arg1[%get3A_4, %get3A_5, %get3A_6] : memref<8x1x4096xf32, #tpu.memory_space<vmem>>, vector<8x1x4096xf32>
    %get3A_8 = vector.shape_cast %get3A_7 : vector<8x1x4096xf32> to vector<8x4096xf32>
    %get3A_9 = arith.constant 0 : index
    %get3A_10 = arith.constant 0 : index
    %get3A_11 = arith.constant 0 : index
    %get3A_12 = vector.load %arg2[%get3A_9, %get3A_10, %get3A_11] : memref<8x1x4096xf32, #tpu.memory_space<vmem>>, vector<8x1x4096xf32>
    %get3A_13 = vector.shape_cast %get3A_12 : vector<8x1x4096xf32> to vector<8x4096xf32>
    %iota3A = tpu.iota {dimensions = array<i32: 1>} : vector<8x4096xi32>
    %iota3A_14 = tpu.iota {dimensions = array<i32: 1>} : vector<8x512xi32>
    %broadcast_in_dim3A = arith.constant 0.000000e+00 : f32
    %broadcast_in_dim3A_15 = vector.broadcast %broadcast_in_dim3A : f32 to vector<8x3x512xf32>
    %swap3A = arith.constant 0 : index
    %swap3A_16 = arith.constant 0 : index
    %swap3A_17 = arith.constant 0 : index
    %swap3A_18 = vector.load %arg3[%swap3A, %swap3A_16, %swap3A_17] : memref<8x3x512xf32, #tpu.memory_space<vmem>>, vector<8x3x512xf32>
    tpu.vector_store %arg3[%swap3A, %swap3A_16, %swap3A_17], %broadcast_in_dim3A_15 {strides = array<i32>} : memref<8x3x512xf32, #tpu.memory_space<vmem>>, vector<8x3x512xf32>,
    %broadcast_in_dim3A_19 = arith.constant 1.000000e+10 : f32
    %broadcast_in_dim3A_20 = vector.broadcast %broadcast_in_dim3A_19 : f32 to vector<8x4096xf32>
    %broadcast_in_dim3A_21 = arith.constant 0 : i32
    %broadcast_in_dim3A_22 = vector.broadcast %broadcast_in_dim3A_21 : i32 to vector<8x1xi32>
    %scan3A = arith.constant 0 : i32
    %scan3A_23 = arith.constant 512 : i32
    %scan3A_24 = arith.addi %scan3A, %scan3A_23 : i32
    %scan3A_25 = arith.constant 1 : i32
    %scan3A_26:2 = scf.for %scan3A_28 = %scan3A to %scan3A_24 step %scan3A_25 iter_args(%scan3A_29 = %broadcast_in_dim3A_20, %scan3A_30 = %broadcast_in_dim3A_22) -> (vector<8x4096xf32>, vector<8x1xi32>)  : i32 {
      %eq3A = vector.broadcast %scan3A_30 : vector<8x1xi32> to vector<8x4096xi32>
      %eq3A_31 = arith.cmpi eq, %iota3A, %eq3A : vector<8x4096xi32>
      %jit3A = arith.constant 0.000000e+00 : f32
      %broadcast_in_dim3A_32 = vector.broadcast %jit3A : f32 to vector<8x4096xf32>
      %select_n3A = arith.select %eq3A_31, %get3A_3, %broadcast_in_dim3A_32 : vector<8x4096xi1>, vector<8x4096xf32>
      %reduce_sum3A = arith.constant dense<0.000000e+00> : vector<8xf32>
      %reduce_sum3A_33 = vector.multi_reduction <add>, %select_n3A, %reduce_sum3A [1] : vector<8x4096xf32> to vector<8xf32>
      %broadcast_in_dim3A_34 = vector.shape_cast %reduce_sum3A_33 : vector<8xf32> to vector<8x1xf32>
      %jit3A_35 = arith.constant 0.000000e+00 : f32
      %broadcast_in_dim3A_36 = vector.broadcast %jit3A_35 : f32 to vector<8x4096xf32>
      %select_n3A_37 = arith.select %eq3A_31, %get3A_8, %broadcast_in_dim3A_36 : vector<8x4096xi1>, vector<8x4096xf32>
      %reduce_sum3A_38 = arith.constant dense<0.000000e+00> : vector<8xf32>
      %reduce_sum3A_39 = vector.multi_reduction <add>, %select_n3A_37, %reduce_sum3A_38 [1] : vector<8x4096xf32> to vector<8xf32>
      %broadcast_in_dim3A_40 = vector.shape_cast %reduce_sum3A_39 : vector<8xf32> to vector<8x1xf32>
      %jit3A_41 = arith.constant 0.000000e+00 : f32
      %broadcast_in_dim3A_42 = vector.broadcast %jit3A_41 : f32 to vector<8x4096xf32>
      %select_n3A_43 = arith.select %eq3A_31, %get3A_13, %broadcast_in_dim3A_42 : vector<8x4096xi1>, vector<8x4096xf32>
      %reduce_sum3A_44 = arith.constant dense<0.000000e+00> : vector<8xf32>
      %reduce_sum3A_45 = vector.multi_reduction <add>, %select_n3A_43, %reduce_sum3A_44 [1] : vector<8x4096xf32> to vector<8xf32>
      %broadcast_in_dim3A_46 = vector.shape_cast %reduce_sum3A_45 : vector<8xf32> to vector<8x1xf32>
      %eq3A_47 = vector.broadcast %scan3A_28 : i32 to vector<8x512xi32>
      %eq3A_48 = arith.cmpi eq, %iota3A_14, %eq3A_47 : vector<8x512xi32>
      %get3A_49 = arith.constant 0 : index
      %get3A_50 = arith.constant 0 : index
      %get3A_51 = arith.constant 0 : index
      %get3A_52 = vector.load %arg3[%get3A_49, %get3A_50, %get3A_51] : memref<8x3x512xf32, #tpu.memory_space<vmem>>, vector<8x1x512xf32>
      %get3A_53 = vector.shape_cast %get3A_52 : vector<8x1x512xf32> to vector<8x512xf32>
      %jit3A_54 = arith.constant 0.000000e+00 : f32
      %broadcast_in_dim3A_55 = vector.shape_cast %broadcast_in_dim3A_34 : vector<8x1xf32> to vector<8x1xf32>
      %broadcast_in_dim3A_56 = vector.broadcast %broadcast_in_dim3A_55 : vector<8x1xf32> to vector<8x512xf32>
      %broadcast_in_dim3A_57 = vector.broadcast %jit3A_54 : f32 to vector<8x512xf32>
      %select_n3A_58 = arith.select %eq3A_48, %broadcast_in_dim3A_56, %broadcast_in_dim3A_57 : vector<8x512xi1>, vector<8x512xf32>
      %add3A = arith.addf %get3A_53, %select_n3A_58 : vector<8x512xf32>
      %swap3A_59 = arith.constant 0 : index
      %swap3A_60 = arith.constant 0 : index
      %swap3A_61 = arith.constant 0 : index
      %swap3A_62 = vector.load %arg3[%swap3A_59, %swap3A_60, %swap3A_61] : memref<8x3x512xf32, #tpu.memory_space<vmem>>, vector<8x1x512xf32>
      %swap3A_63 = vector.shape_cast %swap3A_62 : vector<8x1x512xf32> to vector<8x512xf32>
      %swap3A_64 = vector.shape_cast %add3A : vector<8x512xf32> to vector<8x1x512xf32>
      tpu.vector_store %arg3[%swap3A_59, %swap3A_60, %swap3A_61], %swap3A_64 {strides = array<i32>} : memref<8x3x512xf32, #tpu.memory_space<vmem>>, vector<8x1x512xf32>,
      %get3A_65 = arith.constant 0 : index
      %get3A_66 = arith.constant 1 : index
      %get3A_67 = arith.constant 0 : index
      %get3A_68 = vector.load %arg3[%get3A_65, %get3A_66, %get3A_67] : memref<8x3x512xf32, #tpu.memory_space<vmem>>, vector<8x1x512xf32>
      %get3A_69 = vector.shape_cast %get3A_68 : vector<8x1x512xf32> to vector<8x512xf32>
      %jit3A_70 = arith.constant 0.000000e+00 : f32
      %broadcast_in_dim3A_71 = vector.shape_cast %broadcast_in_dim3A_40 : vector<8x1xf32> to vector<8x1xf32>
      %broadcast_in_dim3A_72 = vector.broadcast %broadcast_in_dim3A_71 : vector<8x1xf32> to vector<8x512xf32>
      %broadcast_in_dim3A_73 = vector.broadcast %jit3A_70 : f32 to vector<8x512xf32>
      %select_n3A_74 = arith.select %eq3A_48, %broadcast_in_dim3A_72, %broadcast_in_dim3A_73 : vector<8x512xi1>, vector<8x512xf32>
      %add3A_75 = arith.addf %get3A_69, %select_n3A_74 : vector<8x512xf32>
      %swap3A_76 = arith.constant 0 : index
      %swap3A_77 = arith.constant 1 : index
      %swap3A_78 = arith.constant 0 : index
      %swap3A_79 = vector.load %arg3[%swap3A_76, %swap3A_77, %swap3A_78] : memref<8x3x512xf32, #tpu.memory_space<vmem>>, vector<8x1x512xf32>
      %swap3A_80 = vector.shape_cast %swap3A_79 : vector<8x1x512xf32> to vector<8x512xf32>
      %swap3A_81 = vector.shape_cast %add3A_75 : vector<8x512xf32> to vector<8x1x512xf32>
      tpu.vector_store %arg3[%swap3A_76, %swap3A_77, %swap3A_78], %swap3A_81 {strides = array<i32>} : memref<8x3x512xf32, #tpu.memory_space<vmem>>, vector<8x1x512xf32>,
      %get3A_82 = arith.constant 0 : index
      %get3A_83 = arith.constant 2 : index
      %get3A_84 = arith.constant 0 : index
      %get3A_85 = vector.load %arg3[%get3A_82, %get3A_83, %get3A_84] : memref<8x3x512xf32, #tpu.memory_space<vmem>>, vector<8x1x512xf32>
      %get3A_86 = vector.shape_cast %get3A_85 : vector<8x1x512xf32> to vector<8x512xf32>
      %jit3A_87 = arith.constant 0.000000e+00 : f32
      %broadcast_in_dim3A_88 = vector.shape_cast %broadcast_in_dim3A_46 : vector<8x1xf32> to vector<8x1xf32>
      %broadcast_in_dim3A_89 = vector.broadcast %broadcast_in_dim3A_88 : vector<8x1xf32> to vector<8x512xf32>
      %broadcast_in_dim3A_90 = vector.broadcast %jit3A_87 : f32 to vector<8x512xf32>
      %select_n3A_91 = arith.select %eq3A_48, %broadcast_in_dim3A_89, %broadcast_in_dim3A_90 : vector<8x512xi1>, vector<8x512xf32>
      %add3A_92 = arith.addf %get3A_86, %select_n3A_91 : vector<8x512xf32>
      %swap3A_93 = arith.constant 0 : index
      %swap3A_94 = arith.constant 2 : index
      %swap3A_95 = arith.constant 0 : index
      %swap3A_96 = vector.load %arg3[%swap3A_93, %swap3A_94, %swap3A_95] : memref<8x3x512xf32, #tpu.memory_space<vmem>>, vector<8x1x512xf32>
      %swap3A_97 = vector.shape_cast %swap3A_96 : vector<8x1x512xf32> to vector<8x512xf32>
      %swap3A_98 = vector.shape_cast %add3A_92 : vector<8x512xf32> to vector<8x1x512xf32>
      tpu.vector_store %arg3[%swap3A_93, %swap3A_94, %swap3A_95], %swap3A_98 {strides = array<i32>} : memref<8x3x512xf32, #tpu.memory_space<vmem>>, vector<8x1x512xf32>,
      %sub3A = vector.broadcast %broadcast_in_dim3A_34 : vector<8x1xf32> to vector<8x4096xf32>
      %sub3A_99 = arith.subf %get3A_3, %sub3A : vector<8x4096xf32>
      %sub3A_100 = vector.broadcast %broadcast_in_dim3A_40 : vector<8x1xf32> to vector<8x4096xf32>
      %sub3A_101 = arith.subf %get3A_8, %sub3A_100 : vector<8x4096xf32>
      %sub3A_102 = vector.broadcast %broadcast_in_dim3A_46 : vector<8x1xf32> to vector<8x4096xf32>
      %sub3A_103 = arith.subf %get3A_13, %sub3A_102 : vector<8x4096xf32>
      %mul3A = arith.mulf %sub3A_99, %sub3A_99 : vector<8x4096xf32>
      %mul3A_104 = arith.mulf %sub3A_101, %sub3A_101 : vector<8x4096xf32>
      %add3A_105 = arith.addf %mul3A, %mul3A_104 : vector<8x4096xf32>
      %mul3A_106 = arith.mulf %sub3A_103, %sub3A_103 : vector<8x4096xf32>
      %add3A_107 = arith.addf %add3A_105, %mul3A_106 : vector<8x4096xf32>
      %min3A = arith.minimumf %scan3A_29, %add3A_107 : vector<8x4096xf32>
      %reduce_max3A = arith.constant dense<0xFF800000> : vector<8xf32>
      %reduce_max3A_108 = vector.multi_reduction <maximumf>, %min3A, %reduce_max3A [1] : vector<8x4096xf32> to vector<8xf32>
      %broadcast_in_dim3A_109 = vector.shape_cast %reduce_max3A_108 : vector<8xf32> to vector<8x1xf32>
      %eq3A_110 = vector.broadcast %broadcast_in_dim3A_109 : vector<8x1xf32> to vector<8x4096xf32>
      %eq3A_111 = arith.cmpf oeq, %min3A, %eq3A_110 : vector<8x4096xf32>
      %jit3A_112 = arith.constant 4096 : i32
      %broadcast_in_dim3A_113 = vector.broadcast %jit3A_112 : i32 to vector<8x4096xi32>
      %select_n3A_114 = arith.select %eq3A_111, %iota3A, %broadcast_in_dim3A_113 : vector<8x4096xi1>, vector<8x4096xi32>
      %reduce_min3A = arith.constant dense<2147483647> : vector<8xi32>
      %reduce_min3A_115 = vector.multi_reduction <minsi>, %select_n3A_114, %reduce_min3A [1] : vector<8x4096xi32> to vector<8xi32>
      %broadcast_in_dim3A_116 = vector.shape_cast %reduce_min3A_115 : vector<8xi32> to vector<8x1xi32>
      scf.yield %min3A, %broadcast_in_dim3A_116 : vector<8x4096xf32>, vector<8x1xi32>
    }
    %scan3A_27 = arith.constant 512 : i32
    return
  }
}

module attributes {stable_mosaic.version = 14 : i64} {
  func.func @_bq_body(%arg0: i32, %arg1: i32, %arg2: memref<1x1x4096xf32, #tpu.memory_space<vmem>>, %arg3: memref<1x1x4096xf32, #tpu.memory_space<vmem>>, %arg4: memref<1x1x4096xf32, #tpu.memory_space<vmem>>, %arg5: memref<1x128x3xf32, #tpu.memory_space<vmem>>, %arg6: memref<1x128x32xi32, #tpu.memory_space<vmem>>) attributes {dimension_semantics = [#tpu.dimension_semantics<arbitrary>, #tpu.dimension_semantics<arbitrary>], iteration_bounds = array<i64: 8, 4>, scalar_prefetch = 0 : i64, scratch_operands = 0 : i64, tpu.core_type = #tpu.core_type<tc>, window_params = [{transform_indices = @transform_0, window_bounds = array<i64: 1, 1, 4096>}, {transform_indices = @transform_1, window_bounds = array<i64: 1, 1, 4096>}, {transform_indices = @transform_2, window_bounds = array<i64: 1, 1, 4096>}, {transform_indices = @transform_3, window_bounds = array<i64: 1, 128, 3>}, {transform_indices = @transform_4, window_bounds = array<i64: 1, 128, 32>}]} {
    %get3A = arith.constant 0 : index
    %get3A_0 = arith.constant 0 : index
    %get3A_1 = arith.constant 0 : index
    %get3A_2 = vector.load %arg2[%get3A, %get3A_0, %get3A_1] : memref<1x1x4096xf32, #tpu.memory_space<vmem>>, vector<1x1x4096xf32>
    %get3A_3 = vector.shape_cast %get3A_2 : vector<1x1x4096xf32> to vector<1x4096xf32>
    %get3A_4 = arith.constant 0 : index
    %get3A_5 = arith.constant 0 : index
    %get3A_6 = arith.constant 0 : index
    %get3A_7 = vector.load %arg3[%get3A_4, %get3A_5, %get3A_6] : memref<1x1x4096xf32, #tpu.memory_space<vmem>>, vector<1x1x4096xf32>
    %get3A_8 = vector.shape_cast %get3A_7 : vector<1x1x4096xf32> to vector<1x4096xf32>
    %get3A_9 = arith.constant 0 : index
    %get3A_10 = arith.constant 0 : index
    %get3A_11 = arith.constant 0 : index
    %get3A_12 = vector.load %arg4[%get3A_9, %get3A_10, %get3A_11] : memref<1x1x4096xf32, #tpu.memory_space<vmem>>, vector<1x1x4096xf32>
    %get3A_13 = vector.shape_cast %get3A_12 : vector<1x1x4096xf32> to vector<1x4096xf32>
    %get3A_14 = arith.constant 0 : index
    %get3A_15 = arith.constant 0 : index
    %get3A_16 = arith.constant 0 : index
    %get3A_17 = vector.load %arg5[%get3A_14, %get3A_15, %get3A_16] : memref<1x128x3xf32, #tpu.memory_space<vmem>>, vector<1x128x3xf32>
    %get3A_18 = vector.shape_cast %get3A_17 : vector<1x128x3xf32> to vector<128x3xf32>
    %slice3A = vector.extract_strided_slice %get3A_18 {offsets = [0, 0], sizes = [128, 1], strides = [1, 1]} : vector<128x3xf32> to vector<128x1xf32>
    %sub3A = vector.broadcast %slice3A : vector<128x1xf32> to vector<128x4096xf32>
    %sub3A_19 = vector.broadcast %get3A_3 : vector<1x4096xf32> to vector<128x4096xf32>
    %sub3A_20 = arith.subf %sub3A, %sub3A_19 : vector<128x4096xf32>
    %slice3A_21 = vector.extract_strided_slice %get3A_18 {offsets = [0, 1], sizes = [128, 1], strides = [1, 1]} : vector<128x3xf32> to vector<128x1xf32>
    %sub3A_22 = vector.broadcast %slice3A_21 : vector<128x1xf32> to vector<128x4096xf32>
    %sub3A_23 = vector.broadcast %get3A_8 : vector<1x4096xf32> to vector<128x4096xf32>
    %sub3A_24 = arith.subf %sub3A_22, %sub3A_23 : vector<128x4096xf32>
    %slice3A_25 = vector.extract_strided_slice %get3A_18 {offsets = [0, 2], sizes = [128, 1], strides = [1, 1]} : vector<128x3xf32> to vector<128x1xf32>
    %sub3A_26 = vector.broadcast %slice3A_25 : vector<128x1xf32> to vector<128x4096xf32>
    %sub3A_27 = vector.broadcast %get3A_13 : vector<1x4096xf32> to vector<128x4096xf32>
    %sub3A_28 = arith.subf %sub3A_26, %sub3A_27 : vector<128x4096xf32>
    %mul3A = arith.mulf %sub3A_20, %sub3A_20 : vector<128x4096xf32>
    %mul3A_29 = arith.mulf %sub3A_24, %sub3A_24 : vector<128x4096xf32>
    %add3A = arith.addf %mul3A, %mul3A_29 : vector<128x4096xf32>
    %mul3A_30 = arith.mulf %sub3A_28, %sub3A_28 : vector<128x4096xf32>
    %add3A_31 = arith.addf %add3A, %mul3A_30 : vector<128x4096xf32>
    %lt3A = arith.constant 4.000000e-02 : f32
    %lt3A_32 = vector.broadcast %lt3A : f32 to vector<128x4096xf32>
    %lt3A_33 = arith.cmpf olt, %add3A_31, %lt3A_32 : vector<128x4096xf32>
    %convert_element_type3A = arith.extui %lt3A_33 : vector<128x4096xi1> to vector<128x4096xi32>
    %jit3A = arith.constant 0 : i32
    %pad3A = vector.broadcast %jit3A : i32 to vector<128x1xi32>
    %pad3A_34 = tpu.concatenate %pad3A, %convert_element_type3A in 1 : vector<128x1xi32>, vector<128x4096xi32> -> vector<128x4097xi32>
    %slice3A_35 = vector.extract_strided_slice %pad3A_34 {offsets = [0, 0], sizes = [128, 4096], strides = [1, 1]} : vector<128x4097xi32> to vector<128x4096xi32>
    %add3A_36 = arith.addi %convert_element_type3A, %slice3A_35 : vector<128x4096xi32>
    %jit3A_37 = arith.constant 0 : i32
    %pad3A_38 = vector.broadcast %jit3A_37 : i32 to vector<128x2xi32>
    %pad3A_39 = tpu.concatenate %pad3A_38, %add3A_36 in 1 : vector<128x2xi32>, vector<128x4096xi32> -> vector<128x4098xi32>
    %slice3A_40 = vector.extract_strided_slice %pad3A_39 {offsets = [0, 0], sizes = [128, 4096], strides = [1, 1]} : vector<128x4098xi32> to vector<128x4096xi32>
    %add3A_41 = arith.addi %add3A_36, %slice3A_40 : vector<128x4096xi32>
    %jit3A_42 = arith.constant 0 : i32
    %pad3A_43 = vector.broadcast %jit3A_42 : i32 to vector<128x4xi32>
    %pad3A_44 = tpu.concatenate %pad3A_43, %add3A_41 in 1 : vector<128x4xi32>, vector<128x4096xi32> -> vector<128x4100xi32>
    %slice3A_45 = vector.extract_strided_slice %pad3A_44 {offsets = [0, 0], sizes = [128, 4096], strides = [1, 1]} : vector<128x4100xi32> to vector<128x4096xi32>
    %add3A_46 = arith.addi %add3A_41, %slice3A_45 : vector<128x4096xi32>
    %jit3A_47 = arith.constant 0 : i32
    %pad3A_48 = vector.broadcast %jit3A_47 : i32 to vector<128x8xi32>
    %pad3A_49 = tpu.concatenate %pad3A_48, %add3A_46 in 1 : vector<128x8xi32>, vector<128x4096xi32> -> vector<128x4104xi32>
    %slice3A_50 = vector.extract_strided_slice %pad3A_49 {offsets = [0, 0], sizes = [128, 4096], strides = [1, 1]} : vector<128x4104xi32> to vector<128x4096xi32>
    %add3A_51 = arith.addi %add3A_46, %slice3A_50 : vector<128x4096xi32>
    %jit3A_52 = arith.constant 0 : i32
    %pad3A_53 = vector.broadcast %jit3A_52 : i32 to vector<128x16xi32>
    %pad3A_54 = tpu.concatenate %pad3A_53, %add3A_51 in 1 : vector<128x16xi32>, vector<128x4096xi32> -> vector<128x4112xi32>
    %slice3A_55 = vector.extract_strided_slice %pad3A_54 {offsets = [0, 0], sizes = [128, 4096], strides = [1, 1]} : vector<128x4112xi32> to vector<128x4096xi32>
    %add3A_56 = arith.addi %add3A_51, %slice3A_55 : vector<128x4096xi32>
    %jit3A_57 = arith.constant 0 : i32
    %pad3A_58 = vector.broadcast %jit3A_57 : i32 to vector<128x32xi32>
    %pad3A_59 = tpu.concatenate %pad3A_58, %add3A_56 in 1 : vector<128x32xi32>, vector<128x4096xi32> -> vector<128x4128xi32>
    %slice3A_60 = vector.extract_strided_slice %pad3A_59 {offsets = [0, 0], sizes = [128, 4096], strides = [1, 1]} : vector<128x4128xi32> to vector<128x4096xi32>
    %add3A_61 = arith.addi %add3A_56, %slice3A_60 : vector<128x4096xi32>
    %jit3A_62 = arith.constant 0 : i32
    %pad3A_63 = vector.broadcast %jit3A_62 : i32 to vector<128x64xi32>
    %pad3A_64 = tpu.concatenate %pad3A_63, %add3A_61 in 1 : vector<128x64xi32>, vector<128x4096xi32> -> vector<128x4160xi32>
    %slice3A_65 = vector.extract_strided_slice %pad3A_64 {offsets = [0, 0], sizes = [128, 4096], strides = [1, 1]} : vector<128x4160xi32> to vector<128x4096xi32>
    %add3A_66 = arith.addi %add3A_61, %slice3A_65 : vector<128x4096xi32>
    %jit3A_67 = arith.constant 0 : i32
    %pad3A_68 = vector.broadcast %jit3A_67 : i32 to vector<128x128xi32>
    %pad3A_69 = tpu.concatenate %pad3A_68, %add3A_66 in 1 : vector<128x128xi32>, vector<128x4096xi32> -> vector<128x4224xi32>
    %slice3A_70 = vector.extract_strided_slice %pad3A_69 {offsets = [0, 0], sizes = [128, 4096], strides = [1, 1]} : vector<128x4224xi32> to vector<128x4096xi32>
    %add3A_71 = arith.addi %add3A_66, %slice3A_70 : vector<128x4096xi32>
    %jit3A_72 = arith.constant 0 : i32
    %pad3A_73 = vector.broadcast %jit3A_72 : i32 to vector<128x256xi32>
    %pad3A_74 = tpu.concatenate %pad3A_73, %add3A_71 in 1 : vector<128x256xi32>, vector<128x4096xi32> -> vector<128x4352xi32>
    %slice3A_75 = vector.extract_strided_slice %pad3A_74 {offsets = [0, 0], sizes = [128, 4096], strides = [1, 1]} : vector<128x4352xi32> to vector<128x4096xi32>
    %add3A_76 = arith.addi %add3A_71, %slice3A_75 : vector<128x4096xi32>
    %jit3A_77 = arith.constant 0 : i32
    %pad3A_78 = vector.broadcast %jit3A_77 : i32 to vector<128x512xi32>
    %pad3A_79 = tpu.concatenate %pad3A_78, %add3A_76 in 1 : vector<128x512xi32>, vector<128x4096xi32> -> vector<128x4608xi32>
    %slice3A_80 = vector.extract_strided_slice %pad3A_79 {offsets = [0, 0], sizes = [128, 4096], strides = [1, 1]} : vector<128x4608xi32> to vector<128x4096xi32>
    %add3A_81 = arith.addi %add3A_76, %slice3A_80 : vector<128x4096xi32>
    %jit3A_82 = arith.constant 0 : i32
    %pad3A_83 = vector.broadcast %jit3A_82 : i32 to vector<128x1024xi32>
    %pad3A_84 = tpu.concatenate %pad3A_83, %add3A_81 in 1 : vector<128x1024xi32>, vector<128x4096xi32> -> vector<128x5120xi32>
    %slice3A_85 = vector.extract_strided_slice %pad3A_84 {offsets = [0, 0], sizes = [128, 4096], strides = [1, 1]} : vector<128x5120xi32> to vector<128x4096xi32>
    %add3A_86 = arith.addi %add3A_81, %slice3A_85 : vector<128x4096xi32>
    %jit3A_87 = arith.constant 0 : i32
    %pad3A_88 = vector.broadcast %jit3A_87 : i32 to vector<128x2048xi32>
    %pad3A_89 = tpu.concatenate %pad3A_88, %add3A_86 in 1 : vector<128x2048xi32>, vector<128x4096xi32> -> vector<128x6144xi32>
    %slice3A_90 = vector.extract_strided_slice %pad3A_89 {offsets = [0, 0], sizes = [128, 4096], strides = [1, 1]} : vector<128x6144xi32> to vector<128x4096xi32>
    %add3A_91 = arith.addi %add3A_86, %slice3A_90 : vector<128x4096xi32>
    %iota3A = tpu.iota {dimensions = array<i32: 1>} : vector<128x32xi32>
    %broadcast_in_dim3A = arith.constant 0 : i32
    %broadcast_in_dim3A_92 = vector.broadcast %broadcast_in_dim3A : i32 to vector<128x32xi32>
    %le3A = arith.constant 0 : i32
    %le3A_93 = vector.broadcast %le3A : i32 to vector<128x4096xi32>
    %le3A_94 = arith.cmpi sle, %add3A_91, %le3A_93 : vector<128x4096xi32>
    %convert_element_type3A_95 = arith.extui %le3A_94 : vector<128x4096xi1> to vector<128x4096xi32>
    %reduce_sum3A = arith.constant dense<0> : vector<128xi32>
    %reduce_sum3A_96 = vector.multi_reduction <add>, %convert_element_type3A_95, %reduce_sum3A [1] : vector<128x4096xi32> to vector<128xi32>
    %broadcast_in_dim3A_97 = vector.shape_cast %reduce_sum3A_96 : vector<128xi32> to vector<128x1xi32>
    %eq3A = arith.constant 0 : i32
    %eq3A_98 = vector.broadcast %eq3A : i32 to vector<128x32xi32>
    %eq3A_99 = arith.cmpi eq, %iota3A, %eq3A_98 : vector<128x32xi32>
    %jit3A_100 = arith.constant 0 : i32
    %broadcast_in_dim3A_101 = vector.shape_cast %broadcast_in_dim3A_97 : vector<128x1xi32> to vector<128x1xi32>
    %broadcast_in_dim3A_102 = vector.broadcast %broadcast_in_dim3A_101 : vector<128x1xi32> to vector<128x32xi32>
    %broadcast_in_dim3A_103 = vector.broadcast %jit3A_100 : i32 to vector<128x32xi32>
    %select_n3A = arith.select %eq3A_99, %broadcast_in_dim3A_102, %broadcast_in_dim3A_103 : vector<128x32xi1>, vector<128x32xi32>
    %add3A_104 = arith.addi %broadcast_in_dim3A_92, %select_n3A : vector<128x32xi32>
    %le3A_105 = arith.constant 1 : i32
    %le3A_106 = vector.broadcast %le3A_105 : i32 to vector<128x4096xi32>
    %le3A_107 = arith.cmpi sle, %add3A_91, %le3A_106 : vector<128x4096xi32>
    %convert_element_type3A_108 = arith.extui %le3A_107 : vector<128x4096xi1> to vector<128x4096xi32>
    %reduce_sum3A_109 = arith.constant dense<0> : vector<128xi32>
    %reduce_sum3A_110 = vector.multi_reduction <add>, %convert_element_type3A_108, %reduce_sum3A_109 [1] : vector<128x4096xi32> to vector<128xi32>
    %broadcast_in_dim3A_111 = vector.shape_cast %reduce_sum3A_110 : vector<128xi32> to vector<128x1xi32>
    %eq3A_112 = arith.constant 1 : i32
    %eq3A_113 = vector.broadcast %eq3A_112 : i32 to vector<128x32xi32>
    %eq3A_114 = arith.cmpi eq, %iota3A, %eq3A_113 : vector<128x32xi32>
    %jit3A_115 = arith.constant 0 : i32
    %broadcast_in_dim3A_116 = vector.shape_cast %broadcast_in_dim3A_111 : vector<128x1xi32> to vector<128x1xi32>
    %broadcast_in_dim3A_117 = vector.broadcast %broadcast_in_dim3A_116 : vector<128x1xi32> to vector<128x32xi32>
    %broadcast_in_dim3A_118 = vector.broadcast %jit3A_115 : i32 to vector<128x32xi32>
    %select_n3A_119 = arith.select %eq3A_114, %broadcast_in_dim3A_117, %broadcast_in_dim3A_118 : vector<128x32xi1>, vector<128x32xi32>
    %add3A_120 = arith.addi %add3A_104, %select_n3A_119 : vector<128x32xi32>
    %le3A_121 = arith.constant 2 : i32
    %le3A_122 = vector.broadcast %le3A_121 : i32 to vector<128x4096xi32>
    %le3A_123 = arith.cmpi sle, %add3A_91, %le3A_122 : vector<128x4096xi32>
    %convert_element_type3A_124 = arith.extui %le3A_123 : vector<128x4096xi1> to vector<128x4096xi32>
    %reduce_sum3A_125 = arith.constant dense<0> : vector<128xi32>
    %reduce_sum3A_126 = vector.multi_reduction <add>, %convert_element_type3A_124, %reduce_sum3A_125 [1] : vector<128x4096xi32> to vector<128xi32>
    %broadcast_in_dim3A_127 = vector.shape_cast %reduce_sum3A_126 : vector<128xi32> to vector<128x1xi32>
    %eq3A_128 = arith.constant 2 : i32
    %eq3A_129 = vector.broadcast %eq3A_128 : i32 to vector<128x32xi32>
    %eq3A_130 = arith.cmpi eq, %iota3A, %eq3A_129 : vector<128x32xi32>
    %jit3A_131 = arith.constant 0 : i32
    %broadcast_in_dim3A_132 = vector.shape_cast %broadcast_in_dim3A_127 : vector<128x1xi32> to vector<128x1xi32>
    %broadcast_in_dim3A_133 = vector.broadcast %broadcast_in_dim3A_132 : vector<128x1xi32> to vector<128x32xi32>
    %broadcast_in_dim3A_134 = vector.broadcast %jit3A_131 : i32 to vector<128x32xi32>
    %select_n3A_135 = arith.select %eq3A_130, %broadcast_in_dim3A_133, %broadcast_in_dim3A_134 : vector<128x32xi1>, vector<128x32xi32>
    %add3A_136 = arith.addi %add3A_120, %select_n3A_135 : vector<128x32xi32>
    %le3A_137 = arith.constant 3 : i32
    %le3A_138 = vector.broadcast %le3A_137 : i32 to vector<128x4096xi32>
    %le3A_139 = arith.cmpi sle, %add3A_91, %le3A_138 : vector<128x4096xi32>
    %convert_element_type3A_140 = arith.extui %le3A_139 : vector<128x4096xi1> to vector<128x4096xi32>
    %reduce_sum3A_141 = arith.constant dense<0> : vector<128xi32>
    %reduce_sum3A_142 = vector.multi_reduction <add>, %convert_element_type3A_140, %reduce_sum3A_141 [1] : vector<128x4096xi32> to vector<128xi32>
    %broadcast_in_dim3A_143 = vector.shape_cast %reduce_sum3A_142 : vector<128xi32> to vector<128x1xi32>
    %eq3A_144 = arith.constant 3 : i32
    %eq3A_145 = vector.broadcast %eq3A_144 : i32 to vector<128x32xi32>
    %eq3A_146 = arith.cmpi eq, %iota3A, %eq3A_145 : vector<128x32xi32>
    %jit3A_147 = arith.constant 0 : i32
    %broadcast_in_dim3A_148 = vector.shape_cast %broadcast_in_dim3A_143 : vector<128x1xi32> to vector<128x1xi32>
    %broadcast_in_dim3A_149 = vector.broadcast %broadcast_in_dim3A_148 : vector<128x1xi32> to vector<128x32xi32>
    %broadcast_in_dim3A_150 = vector.broadcast %jit3A_147 : i32 to vector<128x32xi32>
    %select_n3A_151 = arith.select %eq3A_146, %broadcast_in_dim3A_149, %broadcast_in_dim3A_150 : vector<128x32xi1>, vector<128x32xi32>
    %add3A_152 = arith.addi %add3A_136, %select_n3A_151 : vector<128x32xi32>
    %le3A_153 = arith.constant 4 : i32
    %le3A_154 = vector.broadcast %le3A_153 : i32 to vector<128x4096xi32>
    %le3A_155 = arith.cmpi sle, %add3A_91, %le3A_154 : vector<128x4096xi32>
    %convert_element_type3A_156 = arith.extui %le3A_155 : vector<128x4096xi1> to vector<128x4096xi32>
    %reduce_sum3A_157 = arith.constant dense<0> : vector<128xi32>
    %reduce_sum3A_158 = vector.multi_reduction <add>, %convert_element_type3A_156, %reduce_sum3A_157 [1] : vector<128x4096xi32> to vector<128xi32>
    %broadcast_in_dim3A_159 = vector.shape_cast %reduce_sum3A_158 : vector<128xi32> to vector<128x1xi32>
    %eq3A_160 = arith.constant 4 : i32
    %eq3A_161 = vector.broadcast %eq3A_160 : i32 to vector<128x32xi32>
    %eq3A_162 = arith.cmpi eq, %iota3A, %eq3A_161 : vector<128x32xi32>
    %jit3A_163 = arith.constant 0 : i32
    %broadcast_in_dim3A_164 = vector.shape_cast %broadcast_in_dim3A_159 : vector<128x1xi32> to vector<128x1xi32>
    %broadcast_in_dim3A_165 = vector.broadcast %broadcast_in_dim3A_164 : vector<128x1xi32> to vector<128x32xi32>
    %broadcast_in_dim3A_166 = vector.broadcast %jit3A_163 : i32 to vector<128x32xi32>
    %select_n3A_167 = arith.select %eq3A_162, %broadcast_in_dim3A_165, %broadcast_in_dim3A_166 : vector<128x32xi1>, vector<128x32xi32>
    %add3A_168 = arith.addi %add3A_152, %select_n3A_167 : vector<128x32xi32>
    %le3A_169 = arith.constant 5 : i32
    %le3A_170 = vector.broadcast %le3A_169 : i32 to vector<128x4096xi32>
    %le3A_171 = arith.cmpi sle, %add3A_91, %le3A_170 : vector<128x4096xi32>
    %convert_element_type3A_172 = arith.extui %le3A_171 : vector<128x4096xi1> to vector<128x4096xi32>
    %reduce_sum3A_173 = arith.constant dense<0> : vector<128xi32>
    %reduce_sum3A_174 = vector.multi_reduction <add>, %convert_element_type3A_172, %reduce_sum3A_173 [1] : vector<128x4096xi32> to vector<128xi32>
    %broadcast_in_dim3A_175 = vector.shape_cast %reduce_sum3A_174 : vector<128xi32> to vector<128x1xi32>
    %eq3A_176 = arith.constant 5 : i32
    %eq3A_177 = vector.broadcast %eq3A_176 : i32 to vector<128x32xi32>
    %eq3A_178 = arith.cmpi eq, %iota3A, %eq3A_177 : vector<128x32xi32>
    %jit3A_179 = arith.constant 0 : i32
    %broadcast_in_dim3A_180 = vector.shape_cast %broadcast_in_dim3A_175 : vector<128x1xi32> to vector<128x1xi32>
    %broadcast_in_dim3A_181 = vector.broadcast %broadcast_in_dim3A_180 : vector<128x1xi32> to vector<128x32xi32>
    %broadcast_in_dim3A_182 = vector.broadcast %jit3A_179 : i32 to vector<128x32xi32>
    %select_n3A_183 = arith.select %eq3A_178, %broadcast_in_dim3A_181, %broadcast_in_dim3A_182 : vector<128x32xi1>, vector<128x32xi32>
    %add3A_184 = arith.addi %add3A_168, %select_n3A_183 : vector<128x32xi32>
    %le3A_185 = arith.constant 6 : i32
    %le3A_186 = vector.broadcast %le3A_185 : i32 to vector<128x4096xi32>
    %le3A_187 = arith.cmpi sle, %add3A_91, %le3A_186 : vector<128x4096xi32>
    %convert_element_type3A_188 = arith.extui %le3A_187 : vector<128x4096xi1> to vector<128x4096xi32>
    %reduce_sum3A_189 = arith.constant dense<0> : vector<128xi32>
    %reduce_sum3A_190 = vector.multi_reduction <add>, %convert_element_type3A_188, %reduce_sum3A_189 [1] : vector<128x4096xi32> to vector<128xi32>
    %broadcast_in_dim3A_191 = vector.shape_cast %reduce_sum3A_190 : vector<128xi32> to vector<128x1xi32>
    %eq3A_192 = arith.constant 6 : i32
    %eq3A_193 = vector.broadcast %eq3A_192 : i32 to vector<128x32xi32>
    %eq3A_194 = arith.cmpi eq, %iota3A, %eq3A_193 : vector<128x32xi32>
    %jit3A_195 = arith.constant 0 : i32
    %broadcast_in_dim3A_196 = vector.shape_cast %broadcast_in_dim3A_191 : vector<128x1xi32> to vector<128x1xi32>
    %broadcast_in_dim3A_197 = vector.broadcast %broadcast_in_dim3A_196 : vector<128x1xi32> to vector<128x32xi32>
    %broadcast_in_dim3A_198 = vector.broadcast %jit3A_195 : i32 to vector<128x32xi32>
    %select_n3A_199 = arith.select %eq3A_194, %broadcast_in_dim3A_197, %broadcast_in_dim3A_198 : vector<128x32xi1>, vector<128x32xi32>
    %add3A_200 = arith.addi %add3A_184, %select_n3A_199 : vector<128x32xi32>
    %le3A_201 = arith.constant 7 : i32
    %le3A_202 = vector.broadcast %le3A_201 : i32 to vector<128x4096xi32>
    %le3A_203 = arith.cmpi sle, %add3A_91, %le3A_202 : vector<128x4096xi32>
    %convert_element_type3A_204 = arith.extui %le3A_203 : vector<128x4096xi1> to vector<128x4096xi32>
    %reduce_sum3A_205 = arith.constant dense<0> : vector<128xi32>
    %reduce_sum3A_206 = vector.multi_reduction <add>, %convert_element_type3A_204, %reduce_sum3A_205 [1] : vector<128x4096xi32> to vector<128xi32>
    %broadcast_in_dim3A_207 = vector.shape_cast %reduce_sum3A_206 : vector<128xi32> to vector<128x1xi32>
    %eq3A_208 = arith.constant 7 : i32
    %eq3A_209 = vector.broadcast %eq3A_208 : i32 to vector<128x32xi32>
    %eq3A_210 = arith.cmpi eq, %iota3A, %eq3A_209 : vector<128x32xi32>
    %jit3A_211 = arith.constant 0 : i32
    %broadcast_in_dim3A_212 = vector.shape_cast %broadcast_in_dim3A_207 : vector<128x1xi32> to vector<128x1xi32>
    %broadcast_in_dim3A_213 = vector.broadcast %broadcast_in_dim3A_212 : vector<128x1xi32> to vector<128x32xi32>
    %broadcast_in_dim3A_214 = vector.broadcast %jit3A_211 : i32 to vector<128x32xi32>
    %select_n3A_215 = arith.select %eq3A_210, %broadcast_in_dim3A_213, %broadcast_in_dim3A_214 : vector<128x32xi1>, vector<128x32xi32>
    %add3A_216 = arith.addi %add3A_200, %select_n3A_215 : vector<128x32xi32>
    %le3A_217 = arith.constant 8 : i32
    %le3A_218 = vector.broadcast %le3A_217 : i32 to vector<128x4096xi32>
    %le3A_219 = arith.cmpi sle, %add3A_91, %le3A_218 : vector<128x4096xi32>
    %convert_element_type3A_220 = arith.extui %le3A_219 : vector<128x4096xi1> to vector<128x4096xi32>
    %reduce_sum3A_221 = arith.constant dense<0> : vector<128xi32>
    %reduce_sum3A_222 = vector.multi_reduction <add>, %convert_element_type3A_220, %reduce_sum3A_221 [1] : vector<128x4096xi32> to vector<128xi32>
    %broadcast_in_dim3A_223 = vector.shape_cast %reduce_sum3A_222 : vector<128xi32> to vector<128x1xi32>
    %eq3A_224 = arith.constant 8 : i32
    %eq3A_225 = vector.broadcast %eq3A_224 : i32 to vector<128x32xi32>
    %eq3A_226 = arith.cmpi eq, %iota3A, %eq3A_225 : vector<128x32xi32>
    %jit3A_227 = arith.constant 0 : i32
    %broadcast_in_dim3A_228 = vector.shape_cast %broadcast_in_dim3A_223 : vector<128x1xi32> to vector<128x1xi32>
    %broadcast_in_dim3A_229 = vector.broadcast %broadcast_in_dim3A_228 : vector<128x1xi32> to vector<128x32xi32>
    %broadcast_in_dim3A_230 = vector.broadcast %jit3A_227 : i32 to vector<128x32xi32>
    %select_n3A_231 = arith.select %eq3A_226, %broadcast_in_dim3A_229, %broadcast_in_dim3A_230 : vector<128x32xi1>, vector<128x32xi32>
    %add3A_232 = arith.addi %add3A_216, %select_n3A_231 : vector<128x32xi32>
    %le3A_233 = arith.constant 9 : i32
    %le3A_234 = vector.broadcast %le3A_233 : i32 to vector<128x4096xi32>
    %le3A_235 = arith.cmpi sle, %add3A_91, %le3A_234 : vector<128x4096xi32>
    %convert_element_type3A_236 = arith.extui %le3A_235 : vector<128x4096xi1> to vector<128x4096xi32>
    %reduce_sum3A_237 = arith.constant dense<0> : vector<128xi32>
    %reduce_sum3A_238 = vector.multi_reduction <add>, %convert_element_type3A_236, %reduce_sum3A_237 [1] : vector<128x4096xi32> to vector<128xi32>
    %broadcast_in_dim3A_239 = vector.shape_cast %reduce_sum3A_238 : vector<128xi32> to vector<128x1xi32>
    %eq3A_240 = arith.constant 9 : i32
    %eq3A_241 = vector.broadcast %eq3A_240 : i32 to vector<128x32xi32>
    %eq3A_242 = arith.cmpi eq, %iota3A, %eq3A_241 : vector<128x32xi32>
    %jit3A_243 = arith.constant 0 : i32
    %broadcast_in_dim3A_244 = vector.shape_cast %broadcast_in_dim3A_239 : vector<128x1xi32> to vector<128x1xi32>
    %broadcast_in_dim3A_245 = vector.broadcast %broadcast_in_dim3A_244 : vector<128x1xi32> to vector<128x32xi32>
    %broadcast_in_dim3A_246 = vector.broadcast %jit3A_243 : i32 to vector<128x32xi32>
    %select_n3A_247 = arith.select %eq3A_242, %broadcast_in_dim3A_245, %broadcast_in_dim3A_246 : vector<128x32xi1>, vector<128x32xi32>
    %add3A_248 = arith.addi %add3A_232, %select_n3A_247 : vector<128x32xi32>
    %le3A_249 = arith.constant 10 : i32
    %le3A_250 = vector.broadcast %le3A_249 : i32 to vector<128x4096xi32>
    %le3A_251 = arith.cmpi sle, %add3A_91, %le3A_250 : vector<128x4096xi32>
    %convert_element_type3A_252 = arith.extui %le3A_251 : vector<128x4096xi1> to vector<128x4096xi32>
    %reduce_sum3A_253 = arith.constant dense<0> : vector<128xi32>
    %reduce_sum3A_254 = vector.multi_reduction <add>, %convert_element_type3A_252, %reduce_sum3A_253 [1] : vector<128x4096xi32> to vector<128xi32>
    %broadcast_in_dim3A_255 = vector.shape_cast %reduce_sum3A_254 : vector<128xi32> to vector<128x1xi32>
    %eq3A_256 = arith.constant 10 : i32
    %eq3A_257 = vector.broadcast %eq3A_256 : i32 to vector<128x32xi32>
    %eq3A_258 = arith.cmpi eq, %iota3A, %eq3A_257 : vector<128x32xi32>
    %jit3A_259 = arith.constant 0 : i32
    %broadcast_in_dim3A_260 = vector.shape_cast %broadcast_in_dim3A_255 : vector<128x1xi32> to vector<128x1xi32>
    %broadcast_in_dim3A_261 = vector.broadcast %broadcast_in_dim3A_260 : vector<128x1xi32> to vector<128x32xi32>
    %broadcast_in_dim3A_262 = vector.broadcast %jit3A_259 : i32 to vector<128x32xi32>
    %select_n3A_263 = arith.select %eq3A_258, %broadcast_in_dim3A_261, %broadcast_in_dim3A_262 : vector<128x32xi1>, vector<128x32xi32>
    %add3A_264 = arith.addi %add3A_248, %select_n3A_263 : vector<128x32xi32>
    %le3A_265 = arith.constant 11 : i32
    %le3A_266 = vector.broadcast %le3A_265 : i32 to vector<128x4096xi32>
    %le3A_267 = arith.cmpi sle, %add3A_91, %le3A_266 : vector<128x4096xi32>
    %convert_element_type3A_268 = arith.extui %le3A_267 : vector<128x4096xi1> to vector<128x4096xi32>
    %reduce_sum3A_269 = arith.constant dense<0> : vector<128xi32>
    %reduce_sum3A_270 = vector.multi_reduction <add>, %convert_element_type3A_268, %reduce_sum3A_269 [1] : vector<128x4096xi32> to vector<128xi32>
    %broadcast_in_dim3A_271 = vector.shape_cast %reduce_sum3A_270 : vector<128xi32> to vector<128x1xi32>
    %eq3A_272 = arith.constant 11 : i32
    %eq3A_273 = vector.broadcast %eq3A_272 : i32 to vector<128x32xi32>
    %eq3A_274 = arith.cmpi eq, %iota3A, %eq3A_273 : vector<128x32xi32>
    %jit3A_275 = arith.constant 0 : i32
    %broadcast_in_dim3A_276 = vector.shape_cast %broadcast_in_dim3A_271 : vector<128x1xi32> to vector<128x1xi32>
    %broadcast_in_dim3A_277 = vector.broadcast %broadcast_in_dim3A_276 : vector<128x1xi32> to vector<128x32xi32>
    %broadcast_in_dim3A_278 = vector.broadcast %jit3A_275 : i32 to vector<128x32xi32>
    %select_n3A_279 = arith.select %eq3A_274, %broadcast_in_dim3A_277, %broadcast_in_dim3A_278 : vector<128x32xi1>, vector<128x32xi32>
    %add3A_280 = arith.addi %add3A_264, %select_n3A_279 : vector<128x32xi32>
    %le3A_281 = arith.constant 12 : i32
    %le3A_282 = vector.broadcast %le3A_281 : i32 to vector<128x4096xi32>
    %le3A_283 = arith.cmpi sle, %add3A_91, %le3A_282 : vector<128x4096xi32>
    %convert_element_type3A_284 = arith.extui %le3A_283 : vector<128x4096xi1> to vector<128x4096xi32>
    %reduce_sum3A_285 = arith.constant dense<0> : vector<128xi32>
    %reduce_sum3A_286 = vector.multi_reduction <add>, %convert_element_type3A_284, %reduce_sum3A_285 [1] : vector<128x4096xi32> to vector<128xi32>
    %broadcast_in_dim3A_287 = vector.shape_cast %reduce_sum3A_286 : vector<128xi32> to vector<128x1xi32>
    %eq3A_288 = arith.constant 12 : i32
    %eq3A_289 = vector.broadcast %eq3A_288 : i32 to vector<128x32xi32>
    %eq3A_290 = arith.cmpi eq, %iota3A, %eq3A_289 : vector<128x32xi32>
    %jit3A_291 = arith.constant 0 : i32
    %broadcast_in_dim3A_292 = vector.shape_cast %broadcast_in_dim3A_287 : vector<128x1xi32> to vector<128x1xi32>
    %broadcast_in_dim3A_293 = vector.broadcast %broadcast_in_dim3A_292 : vector<128x1xi32> to vector<128x32xi32>
    %broadcast_in_dim3A_294 = vector.broadcast %jit3A_291 : i32 to vector<128x32xi32>
    %select_n3A_295 = arith.select %eq3A_290, %broadcast_in_dim3A_293, %broadcast_in_dim3A_294 : vector<128x32xi1>, vector<128x32xi32>
    %add3A_296 = arith.addi %add3A_280, %select_n3A_295 : vector<128x32xi32>
    %le3A_297 = arith.constant 13 : i32
    %le3A_298 = vector.broadcast %le3A_297 : i32 to vector<128x4096xi32>
    %le3A_299 = arith.cmpi sle, %add3A_91, %le3A_298 : vector<128x4096xi32>
    %convert_element_type3A_300 = arith.extui %le3A_299 : vector<128x4096xi1> to vector<128x4096xi32>
    %reduce_sum3A_301 = arith.constant dense<0> : vector<128xi32>
    %reduce_sum3A_302 = vector.multi_reduction <add>, %convert_element_type3A_300, %reduce_sum3A_301 [1] : vector<128x4096xi32> to vector<128xi32>
    %broadcast_in_dim3A_303 = vector.shape_cast %reduce_sum3A_302 : vector<128xi32> to vector<128x1xi32>
    %eq3A_304 = arith.constant 13 : i32
    %eq3A_305 = vector.broadcast %eq3A_304 : i32 to vector<128x32xi32>
    %eq3A_306 = arith.cmpi eq, %iota3A, %eq3A_305 : vector<128x32xi32>
    %jit3A_307 = arith.constant 0 : i32
    %broadcast_in_dim3A_308 = vector.shape_cast %broadcast_in_dim3A_303 : vector<128x1xi32> to vector<128x1xi32>
    %broadcast_in_dim3A_309 = vector.broadcast %broadcast_in_dim3A_308 : vector<128x1xi32> to vector<128x32xi32>
    %broadcast_in_dim3A_310 = vector.broadcast %jit3A_307 : i32 to vector<128x32xi32>
    %select_n3A_311 = arith.select %eq3A_306, %broadcast_in_dim3A_309, %broadcast_in_dim3A_310 : vector<128x32xi1>, vector<128x32xi32>
    %add3A_312 = arith.addi %add3A_296, %select_n3A_311 : vector<128x32xi32>
    %le3A_313 = arith.constant 14 : i32
    %le3A_314 = vector.broadcast %le3A_313 : i32 to vector<128x4096xi32>
    %le3A_315 = arith.cmpi sle, %add3A_91, %le3A_314 : vector<128x4096xi32>
    %convert_element_type3A_316 = arith.extui %le3A_315 : vector<128x4096xi1> to vector<128x4096xi32>
    %reduce_sum3A_317 = arith.constant dense<0> : vector<128xi32>
    %reduce_sum3A_318 = vector.multi_reduction <add>, %convert_element_type3A_316, %reduce_sum3A_317 [1] : vector<128x4096xi32> to vector<128xi32>
    %broadcast_in_dim3A_319 = vector.shape_cast %reduce_sum3A_318 : vector<128xi32> to vector<128x1xi32>
    %eq3A_320 = arith.constant 14 : i32
    %eq3A_321 = vector.broadcast %eq3A_320 : i32 to vector<128x32xi32>
    %eq3A_322 = arith.cmpi eq, %iota3A, %eq3A_321 : vector<128x32xi32>
    %jit3A_323 = arith.constant 0 : i32
    %broadcast_in_dim3A_324 = vector.shape_cast %broadcast_in_dim3A_319 : vector<128x1xi32> to vector<128x1xi32>
    %broadcast_in_dim3A_325 = vector.broadcast %broadcast_in_dim3A_324 : vector<128x1xi32> to vector<128x32xi32>
    %broadcast_in_dim3A_326 = vector.broadcast %jit3A_323 : i32 to vector<128x32xi32>
    %select_n3A_327 = arith.select %eq3A_322, %broadcast_in_dim3A_325, %broadcast_in_dim3A_326 : vector<128x32xi1>, vector<128x32xi32>
    %add3A_328 = arith.addi %add3A_312, %select_n3A_327 : vector<128x32xi32>
    %le3A_329 = arith.constant 15 : i32
    %le3A_330 = vector.broadcast %le3A_329 : i32 to vector<128x4096xi32>
    %le3A_331 = arith.cmpi sle, %add3A_91, %le3A_330 : vector<128x4096xi32>
    %convert_element_type3A_332 = arith.extui %le3A_331 : vector<128x4096xi1> to vector<128x4096xi32>
    %reduce_sum3A_333 = arith.constant dense<0> : vector<128xi32>
    %reduce_sum3A_334 = vector.multi_reduction <add>, %convert_element_type3A_332, %reduce_sum3A_333 [1] : vector<128x4096xi32> to vector<128xi32>
    %broadcast_in_dim3A_335 = vector.shape_cast %reduce_sum3A_334 : vector<128xi32> to vector<128x1xi32>
    %eq3A_336 = arith.constant 15 : i32
    %eq3A_337 = vector.broadcast %eq3A_336 : i32 to vector<128x32xi32>
    %eq3A_338 = arith.cmpi eq, %iota3A, %eq3A_337 : vector<128x32xi32>
    %jit3A_339 = arith.constant 0 : i32
    %broadcast_in_dim3A_340 = vector.shape_cast %broadcast_in_dim3A_335 : vector<128x1xi32> to vector<128x1xi32>
    %broadcast_in_dim3A_341 = vector.broadcast %broadcast_in_dim3A_340 : vector<128x1xi32> to vector<128x32xi32>
    %broadcast_in_dim3A_342 = vector.broadcast %jit3A_339 : i32 to vector<128x32xi32>
    %select_n3A_343 = arith.select %eq3A_338, %broadcast_in_dim3A_341, %broadcast_in_dim3A_342 : vector<128x32xi1>, vector<128x32xi32>
    %add3A_344 = arith.addi %add3A_328, %select_n3A_343 : vector<128x32xi32>
    %le3A_345 = arith.constant 16 : i32
    %le3A_346 = vector.broadcast %le3A_345 : i32 to vector<128x4096xi32>
    %le3A_347 = arith.cmpi sle, %add3A_91, %le3A_346 : vector<128x4096xi32>
    %convert_element_type3A_348 = arith.extui %le3A_347 : vector<128x4096xi1> to vector<128x4096xi32>
    %reduce_sum3A_349 = arith.constant dense<0> : vector<128xi32>
    %reduce_sum3A_350 = vector.multi_reduction <add>, %convert_element_type3A_348, %reduce_sum3A_349 [1] : vector<128x4096xi32> to vector<128xi32>
    %broadcast_in_dim3A_351 = vector.shape_cast %reduce_sum3A_350 : vector<128xi32> to vector<128x1xi32>
    %eq3A_352 = arith.constant 16 : i32
    %eq3A_353 = vector.broadcast %eq3A_352 : i32 to vector<128x32xi32>
    %eq3A_354 = arith.cmpi eq, %iota3A, %eq3A_353 : vector<128x32xi32>
    %jit3A_355 = arith.constant 0 : i32
    %broadcast_in_dim3A_356 = vector.shape_cast %broadcast_in_dim3A_351 : vector<128x1xi32> to vector<128x1xi32>
    %broadcast_in_dim3A_357 = vector.broadcast %broadcast_in_dim3A_356 : vector<128x1xi32> to vector<128x32xi32>
    %broadcast_in_dim3A_358 = vector.broadcast %jit3A_355 : i32 to vector<128x32xi32>
    %select_n3A_359 = arith.select %eq3A_354, %broadcast_in_dim3A_357, %broadcast_in_dim3A_358 : vector<128x32xi1>, vector<128x32xi32>
    %add3A_360 = arith.addi %add3A_344, %select_n3A_359 : vector<128x32xi32>
    %le3A_361 = arith.constant 17 : i32
    %le3A_362 = vector.broadcast %le3A_361 : i32 to vector<128x4096xi32>
    %le3A_363 = arith.cmpi sle, %add3A_91, %le3A_362 : vector<128x4096xi32>
    %convert_element_type3A_364 = arith.extui %le3A_363 : vector<128x4096xi1> to vector<128x4096xi32>
    %reduce_sum3A_365 = arith.constant dense<0> : vector<128xi32>
    %reduce_sum3A_366 = vector.multi_reduction <add>, %convert_element_type3A_364, %reduce_sum3A_365 [1] : vector<128x4096xi32> to vector<128xi32>
    %broadcast_in_dim3A_367 = vector.shape_cast %reduce_sum3A_366 : vector<128xi32> to vector<128x1xi32>
    %eq3A_368 = arith.constant 17 : i32
    %eq3A_369 = vector.broadcast %eq3A_368 : i32 to vector<128x32xi32>
    %eq3A_370 = arith.cmpi eq, %iota3A, %eq3A_369 : vector<128x32xi32>
    %jit3A_371 = arith.constant 0 : i32
    %broadcast_in_dim3A_372 = vector.shape_cast %broadcast_in_dim3A_367 : vector<128x1xi32> to vector<128x1xi32>
    %broadcast_in_dim3A_373 = vector.broadcast %broadcast_in_dim3A_372 : vector<128x1xi32> to vector<128x32xi32>
    %broadcast_in_dim3A_374 = vector.broadcast %jit3A_371 : i32 to vector<128x32xi32>
    %select_n3A_375 = arith.select %eq3A_370, %broadcast_in_dim3A_373, %broadcast_in_dim3A_374 : vector<128x32xi1>, vector<128x32xi32>
    %add3A_376 = arith.addi %add3A_360, %select_n3A_375 : vector<128x32xi32>
    %le3A_377 = arith.constant 18 : i32
    %le3A_378 = vector.broadcast %le3A_377 : i32 to vector<128x4096xi32>
    %le3A_379 = arith.cmpi sle, %add3A_91, %le3A_378 : vector<128x4096xi32>
    %convert_element_type3A_380 = arith.extui %le3A_379 : vector<128x4096xi1> to vector<128x4096xi32>
    %reduce_sum3A_381 = arith.constant dense<0> : vector<128xi32>
    %reduce_sum3A_382 = vector.multi_reduction <add>, %convert_element_type3A_380, %reduce_sum3A_381 [1] : vector<128x4096xi32> to vector<128xi32>
    %broadcast_in_dim3A_383 = vector.shape_cast %reduce_sum3A_382 : vector<128xi32> to vector<128x1xi32>
    %eq3A_384 = arith.constant 18 : i32
    %eq3A_385 = vector.broadcast %eq3A_384 : i32 to vector<128x32xi32>
    %eq3A_386 = arith.cmpi eq, %iota3A, %eq3A_385 : vector<128x32xi32>
    %jit3A_387 = arith.constant 0 : i32
    %broadcast_in_dim3A_388 = vector.shape_cast %broadcast_in_dim3A_383 : vector<128x1xi32> to vector<128x1xi32>
    %broadcast_in_dim3A_389 = vector.broadcast %broadcast_in_dim3A_388 : vector<128x1xi32> to vector<128x32xi32>
    %broadcast_in_dim3A_390 = vector.broadcast %jit3A_387 : i32 to vector<128x32xi32>
    %select_n3A_391 = arith.select %eq3A_386, %broadcast_in_dim3A_389, %broadcast_in_dim3A_390 : vector<128x32xi1>, vector<128x32xi32>
    %add3A_392 = arith.addi %add3A_376, %select_n3A_391 : vector<128x32xi32>
    %le3A_393 = arith.constant 19 : i32
    %le3A_394 = vector.broadcast %le3A_393 : i32 to vector<128x4096xi32>
    %le3A_395 = arith.cmpi sle, %add3A_91, %le3A_394 : vector<128x4096xi32>
    %convert_element_type3A_396 = arith.extui %le3A_395 : vector<128x4096xi1> to vector<128x4096xi32>
    %reduce_sum3A_397 = arith.constant dense<0> : vector<128xi32>
    %reduce_sum3A_398 = vector.multi_reduction <add>, %convert_element_type3A_396, %reduce_sum3A_397 [1] : vector<128x4096xi32> to vector<128xi32>
    %broadcast_in_dim3A_399 = vector.shape_cast %reduce_sum3A_398 : vector<128xi32> to vector<128x1xi32>
    %eq3A_400 = arith.constant 19 : i32
    %eq3A_401 = vector.broadcast %eq3A_400 : i32 to vector<128x32xi32>
    %eq3A_402 = arith.cmpi eq, %iota3A, %eq3A_401 : vector<128x32xi32>
    %jit3A_403 = arith.constant 0 : i32
    %broadcast_in_dim3A_404 = vector.shape_cast %broadcast_in_dim3A_399 : vector<128x1xi32> to vector<128x1xi32>
    %broadcast_in_dim3A_405 = vector.broadcast %broadcast_in_dim3A_404 : vector<128x1xi32> to vector<128x32xi32>
    %broadcast_in_dim3A_406 = vector.broadcast %jit3A_403 : i32 to vector<128x32xi32>
    %select_n3A_407 = arith.select %eq3A_402, %broadcast_in_dim3A_405, %broadcast_in_dim3A_406 : vector<128x32xi1>, vector<128x32xi32>
    %add3A_408 = arith.addi %add3A_392, %select_n3A_407 : vector<128x32xi32>
    %le3A_409 = arith.constant 20 : i32
    %le3A_410 = vector.broadcast %le3A_409 : i32 to vector<128x4096xi32>
    %le3A_411 = arith.cmpi sle, %add3A_91, %le3A_410 : vector<128x4096xi32>
    %convert_element_type3A_412 = arith.extui %le3A_411 : vector<128x4096xi1> to vector<128x4096xi32>
    %reduce_sum3A_413 = arith.constant dense<0> : vector<128xi32>
    %reduce_sum3A_414 = vector.multi_reduction <add>, %convert_element_type3A_412, %reduce_sum3A_413 [1] : vector<128x4096xi32> to vector<128xi32>
    %broadcast_in_dim3A_415 = vector.shape_cast %reduce_sum3A_414 : vector<128xi32> to vector<128x1xi32>
    %eq3A_416 = arith.constant 20 : i32
    %eq3A_417 = vector.broadcast %eq3A_416 : i32 to vector<128x32xi32>
    %eq3A_418 = arith.cmpi eq, %iota3A, %eq3A_417 : vector<128x32xi32>
    %jit3A_419 = arith.constant 0 : i32
    %broadcast_in_dim3A_420 = vector.shape_cast %broadcast_in_dim3A_415 : vector<128x1xi32> to vector<128x1xi32>
    %broadcast_in_dim3A_421 = vector.broadcast %broadcast_in_dim3A_420 : vector<128x1xi32> to vector<128x32xi32>
    %broadcast_in_dim3A_422 = vector.broadcast %jit3A_419 : i32 to vector<128x32xi32>
    %select_n3A_423 = arith.select %eq3A_418, %broadcast_in_dim3A_421, %broadcast_in_dim3A_422 : vector<128x32xi1>, vector<128x32xi32>
    %add3A_424 = arith.addi %add3A_408, %select_n3A_423 : vector<128x32xi32>
    %le3A_425 = arith.constant 21 : i32
    %le3A_426 = vector.broadcast %le3A_425 : i32 to vector<128x4096xi32>
    %le3A_427 = arith.cmpi sle, %add3A_91, %le3A_426 : vector<128x4096xi32>
    %convert_element_type3A_428 = arith.extui %le3A_427 : vector<128x4096xi1> to vector<128x4096xi32>
    %reduce_sum3A_429 = arith.constant dense<0> : vector<128xi32>
    %reduce_sum3A_430 = vector.multi_reduction <add>, %convert_element_type3A_428, %reduce_sum3A_429 [1] : vector<128x4096xi32> to vector<128xi32>
    %broadcast_in_dim3A_431 = vector.shape_cast %reduce_sum3A_430 : vector<128xi32> to vector<128x1xi32>
    %eq3A_432 = arith.constant 21 : i32
    %eq3A_433 = vector.broadcast %eq3A_432 : i32 to vector<128x32xi32>
    %eq3A_434 = arith.cmpi eq, %iota3A, %eq3A_433 : vector<128x32xi32>
    %jit3A_435 = arith.constant 0 : i32
    %broadcast_in_dim3A_436 = vector.shape_cast %broadcast_in_dim3A_431 : vector<128x1xi32> to vector<128x1xi32>
    %broadcast_in_dim3A_437 = vector.broadcast %broadcast_in_dim3A_436 : vector<128x1xi32> to vector<128x32xi32>
    %broadcast_in_dim3A_438 = vector.broadcast %jit3A_435 : i32 to vector<128x32xi32>
    %select_n3A_439 = arith.select %eq3A_434, %broadcast_in_dim3A_437, %broadcast_in_dim3A_438 : vector<128x32xi1>, vector<128x32xi32>
    %add3A_440 = arith.addi %add3A_424, %select_n3A_439 : vector<128x32xi32>
    %le3A_441 = arith.constant 22 : i32
    %le3A_442 = vector.broadcast %le3A_441 : i32 to vector<128x4096xi32>
    %le3A_443 = arith.cmpi sle, %add3A_91, %le3A_442 : vector<128x4096xi32>
    %convert_element_type3A_444 = arith.extui %le3A_443 : vector<128x4096xi1> to vector<128x4096xi32>
    %reduce_sum3A_445 = arith.constant dense<0> : vector<128xi32>
    %reduce_sum3A_446 = vector.multi_reduction <add>, %convert_element_type3A_444, %reduce_sum3A_445 [1] : vector<128x4096xi32> to vector<128xi32>
    %broadcast_in_dim3A_447 = vector.shape_cast %reduce_sum3A_446 : vector<128xi32> to vector<128x1xi32>
    %eq3A_448 = arith.constant 22 : i32
    %eq3A_449 = vector.broadcast %eq3A_448 : i32 to vector<128x32xi32>
    %eq3A_450 = arith.cmpi eq, %iota3A, %eq3A_449 : vector<128x32xi32>
    %jit3A_451 = arith.constant 0 : i32
    %broadcast_in_dim3A_452 = vector.shape_cast %broadcast_in_dim3A_447 : vector<128x1xi32> to vector<128x1xi32>
    %broadcast_in_dim3A_453 = vector.broadcast %broadcast_in_dim3A_452 : vector<128x1xi32> to vector<128x32xi32>
    %broadcast_in_dim3A_454 = vector.broadcast %jit3A_451 : i32 to vector<128x32xi32>
    %select_n3A_455 = arith.select %eq3A_450, %broadcast_in_dim3A_453, %broadcast_in_dim3A_454 : vector<128x32xi1>, vector<128x32xi32>
    %add3A_456 = arith.addi %add3A_440, %select_n3A_455 : vector<128x32xi32>
    %le3A_457 = arith.constant 23 : i32
    %le3A_458 = vector.broadcast %le3A_457 : i32 to vector<128x4096xi32>
    %le3A_459 = arith.cmpi sle, %add3A_91, %le3A_458 : vector<128x4096xi32>
    %convert_element_type3A_460 = arith.extui %le3A_459 : vector<128x4096xi1> to vector<128x4096xi32>
    %reduce_sum3A_461 = arith.constant dense<0> : vector<128xi32>
    %reduce_sum3A_462 = vector.multi_reduction <add>, %convert_element_type3A_460, %reduce_sum3A_461 [1] : vector<128x4096xi32> to vector<128xi32>
    %broadcast_in_dim3A_463 = vector.shape_cast %reduce_sum3A_462 : vector<128xi32> to vector<128x1xi32>
    %eq3A_464 = arith.constant 23 : i32
    %eq3A_465 = vector.broadcast %eq3A_464 : i32 to vector<128x32xi32>
    %eq3A_466 = arith.cmpi eq, %iota3A, %eq3A_465 : vector<128x32xi32>
    %jit3A_467 = arith.constant 0 : i32
    %broadcast_in_dim3A_468 = vector.shape_cast %broadcast_in_dim3A_463 : vector<128x1xi32> to vector<128x1xi32>
    %broadcast_in_dim3A_469 = vector.broadcast %broadcast_in_dim3A_468 : vector<128x1xi32> to vector<128x32xi32>
    %broadcast_in_dim3A_470 = vector.broadcast %jit3A_467 : i32 to vector<128x32xi32>
    %select_n3A_471 = arith.select %eq3A_466, %broadcast_in_dim3A_469, %broadcast_in_dim3A_470 : vector<128x32xi1>, vector<128x32xi32>
    %add3A_472 = arith.addi %add3A_456, %select_n3A_471 : vector<128x32xi32>
    %le3A_473 = arith.constant 24 : i32
    %le3A_474 = vector.broadcast %le3A_473 : i32 to vector<128x4096xi32>
    %le3A_475 = arith.cmpi sle, %add3A_91, %le3A_474 : vector<128x4096xi32>
    %convert_element_type3A_476 = arith.extui %le3A_475 : vector<128x4096xi1> to vector<128x4096xi32>
    %reduce_sum3A_477 = arith.constant dense<0> : vector<128xi32>
    %reduce_sum3A_478 = vector.multi_reduction <add>, %convert_element_type3A_476, %reduce_sum3A_477 [1] : vector<128x4096xi32> to vector<128xi32>
    %broadcast_in_dim3A_479 = vector.shape_cast %reduce_sum3A_478 : vector<128xi32> to vector<128x1xi32>
    %eq3A_480 = arith.constant 24 : i32
    %eq3A_481 = vector.broadcast %eq3A_480 : i32 to vector<128x32xi32>
    %eq3A_482 = arith.cmpi eq, %iota3A, %eq3A_481 : vector<128x32xi32>
    %jit3A_483 = arith.constant 0 : i32
    %broadcast_in_dim3A_484 = vector.shape_cast %broadcast_in_dim3A_479 : vector<128x1xi32> to vector<128x1xi32>
    %broadcast_in_dim3A_485 = vector.broadcast %broadcast_in_dim3A_484 : vector<128x1xi32> to vector<128x32xi32>
    %broadcast_in_dim3A_486 = vector.broadcast %jit3A_483 : i32 to vector<128x32xi32>
    %select_n3A_487 = arith.select %eq3A_482, %broadcast_in_dim3A_485, %broadcast_in_dim3A_486 : vector<128x32xi1>, vector<128x32xi32>
    %add3A_488 = arith.addi %add3A_472, %select_n3A_487 : vector<128x32xi32>
    %le3A_489 = arith.constant 25 : i32
    %le3A_490 = vector.broadcast %le3A_489 : i32 to vector<128x4096xi32>
    %le3A_491 = arith.cmpi sle, %add3A_91, %le3A_490 : vector<128x4096xi32>
    %convert_element_type3A_492 = arith.extui %le3A_491 : vector<128x4096xi1> to vector<128x4096xi32>
    %reduce_sum3A_493 = arith.constant dense<0> : vector<128xi32>
    %reduce_sum3A_494 = vector.multi_reduction <add>, %convert_element_type3A_492, %reduce_sum3A_493 [1] : vector<128x4096xi32> to vector<128xi32>
    %broadcast_in_dim3A_495 = vector.shape_cast %reduce_sum3A_494 : vector<128xi32> to vector<128x1xi32>
    %eq3A_496 = arith.constant 25 : i32
    %eq3A_497 = vector.broadcast %eq3A_496 : i32 to vector<128x32xi32>
    %eq3A_498 = arith.cmpi eq, %iota3A, %eq3A_497 : vector<128x32xi32>
    %jit3A_499 = arith.constant 0 : i32
    %broadcast_in_dim3A_500 = vector.shape_cast %broadcast_in_dim3A_495 : vector<128x1xi32> to vector<128x1xi32>
    %broadcast_in_dim3A_501 = vector.broadcast %broadcast_in_dim3A_500 : vector<128x1xi32> to vector<128x32xi32>
    %broadcast_in_dim3A_502 = vector.broadcast %jit3A_499 : i32 to vector<128x32xi32>
    %select_n3A_503 = arith.select %eq3A_498, %broadcast_in_dim3A_501, %broadcast_in_dim3A_502 : vector<128x32xi1>, vector<128x32xi32>
    %add3A_504 = arith.addi %add3A_488, %select_n3A_503 : vector<128x32xi32>
    %le3A_505 = arith.constant 26 : i32
    %le3A_506 = vector.broadcast %le3A_505 : i32 to vector<128x4096xi32>
    %le3A_507 = arith.cmpi sle, %add3A_91, %le3A_506 : vector<128x4096xi32>
    %convert_element_type3A_508 = arith.extui %le3A_507 : vector<128x4096xi1> to vector<128x4096xi32>
    %reduce_sum3A_509 = arith.constant dense<0> : vector<128xi32>
    %reduce_sum3A_510 = vector.multi_reduction <add>, %convert_element_type3A_508, %reduce_sum3A_509 [1] : vector<128x4096xi32> to vector<128xi32>
    %broadcast_in_dim3A_511 = vector.shape_cast %reduce_sum3A_510 : vector<128xi32> to vector<128x1xi32>
    %eq3A_512 = arith.constant 26 : i32
    %eq3A_513 = vector.broadcast %eq3A_512 : i32 to vector<128x32xi32>
    %eq3A_514 = arith.cmpi eq, %iota3A, %eq3A_513 : vector<128x32xi32>
    %jit3A_515 = arith.constant 0 : i32
    %broadcast_in_dim3A_516 = vector.shape_cast %broadcast_in_dim3A_511 : vector<128x1xi32> to vector<128x1xi32>
    %broadcast_in_dim3A_517 = vector.broadcast %broadcast_in_dim3A_516 : vector<128x1xi32> to vector<128x32xi32>
    %broadcast_in_dim3A_518 = vector.broadcast %jit3A_515 : i32 to vector<128x32xi32>
    %select_n3A_519 = arith.select %eq3A_514, %broadcast_in_dim3A_517, %broadcast_in_dim3A_518 : vector<128x32xi1>, vector<128x32xi32>
    %add3A_520 = arith.addi %add3A_504, %select_n3A_519 : vector<128x32xi32>
    %le3A_521 = arith.constant 27 : i32
    %le3A_522 = vector.broadcast %le3A_521 : i32 to vector<128x4096xi32>
    %le3A_523 = arith.cmpi sle, %add3A_91, %le3A_522 : vector<128x4096xi32>
    %convert_element_type3A_524 = arith.extui %le3A_523 : vector<128x4096xi1> to vector<128x4096xi32>
    %reduce_sum3A_525 = arith.constant dense<0> : vector<128xi32>
    %reduce_sum3A_526 = vector.multi_reduction <add>, %convert_element_type3A_524, %reduce_sum3A_525 [1] : vector<128x4096xi32> to vector<128xi32>
    %broadcast_in_dim3A_527 = vector.shape_cast %reduce_sum3A_526 : vector<128xi32> to vector<128x1xi32>
    %eq3A_528 = arith.constant 27 : i32
    %eq3A_529 = vector.broadcast %eq3A_528 : i32 to vector<128x32xi32>
    %eq3A_530 = arith.cmpi eq, %iota3A, %eq3A_529 : vector<128x32xi32>
    %jit3A_531 = arith.constant 0 : i32
    %broadcast_in_dim3A_532 = vector.shape_cast %broadcast_in_dim3A_527 : vector<128x1xi32> to vector<128x1xi32>
    %broadcast_in_dim3A_533 = vector.broadcast %broadcast_in_dim3A_532 : vector<128x1xi32> to vector<128x32xi32>
    %broadcast_in_dim3A_534 = vector.broadcast %jit3A_531 : i32 to vector<128x32xi32>
    %select_n3A_535 = arith.select %eq3A_530, %broadcast_in_dim3A_533, %broadcast_in_dim3A_534 : vector<128x32xi1>, vector<128x32xi32>
    %add3A_536 = arith.addi %add3A_520, %select_n3A_535 : vector<128x32xi32>
    %le3A_537 = arith.constant 28 : i32
    %le3A_538 = vector.broadcast %le3A_537 : i32 to vector<128x4096xi32>
    %le3A_539 = arith.cmpi sle, %add3A_91, %le3A_538 : vector<128x4096xi32>
    %convert_element_type3A_540 = arith.extui %le3A_539 : vector<128x4096xi1> to vector<128x4096xi32>
    %reduce_sum3A_541 = arith.constant dense<0> : vector<128xi32>
    %reduce_sum3A_542 = vector.multi_reduction <add>, %convert_element_type3A_540, %reduce_sum3A_541 [1] : vector<128x4096xi32> to vector<128xi32>
    %broadcast_in_dim3A_543 = vector.shape_cast %reduce_sum3A_542 : vector<128xi32> to vector<128x1xi32>
    %eq3A_544 = arith.constant 28 : i32
    %eq3A_545 = vector.broadcast %eq3A_544 : i32 to vector<128x32xi32>
    %eq3A_546 = arith.cmpi eq, %iota3A, %eq3A_545 : vector<128x32xi32>
    %jit3A_547 = arith.constant 0 : i32
    %broadcast_in_dim3A_548 = vector.shape_cast %broadcast_in_dim3A_543 : vector<128x1xi32> to vector<128x1xi32>
    %broadcast_in_dim3A_549 = vector.broadcast %broadcast_in_dim3A_548 : vector<128x1xi32> to vector<128x32xi32>
    %broadcast_in_dim3A_550 = vector.broadcast %jit3A_547 : i32 to vector<128x32xi32>
    %select_n3A_551 = arith.select %eq3A_546, %broadcast_in_dim3A_549, %broadcast_in_dim3A_550 : vector<128x32xi1>, vector<128x32xi32>
    %add3A_552 = arith.addi %add3A_536, %select_n3A_551 : vector<128x32xi32>
    %le3A_553 = arith.constant 29 : i32
    %le3A_554 = vector.broadcast %le3A_553 : i32 to vector<128x4096xi32>
    %le3A_555 = arith.cmpi sle, %add3A_91, %le3A_554 : vector<128x4096xi32>
    %convert_element_type3A_556 = arith.extui %le3A_555 : vector<128x4096xi1> to vector<128x4096xi32>
    %reduce_sum3A_557 = arith.constant dense<0> : vector<128xi32>
    %reduce_sum3A_558 = vector.multi_reduction <add>, %convert_element_type3A_556, %reduce_sum3A_557 [1] : vector<128x4096xi32> to vector<128xi32>
    %broadcast_in_dim3A_559 = vector.shape_cast %reduce_sum3A_558 : vector<128xi32> to vector<128x1xi32>
    %eq3A_560 = arith.constant 29 : i32
    %eq3A_561 = vector.broadcast %eq3A_560 : i32 to vector<128x32xi32>
    %eq3A_562 = arith.cmpi eq, %iota3A, %eq3A_561 : vector<128x32xi32>
    %jit3A_563 = arith.constant 0 : i32
    %broadcast_in_dim3A_564 = vector.shape_cast %broadcast_in_dim3A_559 : vector<128x1xi32> to vector<128x1xi32>
    %broadcast_in_dim3A_565 = vector.broadcast %broadcast_in_dim3A_564 : vector<128x1xi32> to vector<128x32xi32>
    %broadcast_in_dim3A_566 = vector.broadcast %jit3A_563 : i32 to vector<128x32xi32>
    %select_n3A_567 = arith.select %eq3A_562, %broadcast_in_dim3A_565, %broadcast_in_dim3A_566 : vector<128x32xi1>, vector<128x32xi32>
    %add3A_568 = arith.addi %add3A_552, %select_n3A_567 : vector<128x32xi32>
    %le3A_569 = arith.constant 30 : i32
    %le3A_570 = vector.broadcast %le3A_569 : i32 to vector<128x4096xi32>
    %le3A_571 = arith.cmpi sle, %add3A_91, %le3A_570 : vector<128x4096xi32>
    %convert_element_type3A_572 = arith.extui %le3A_571 : vector<128x4096xi1> to vector<128x4096xi32>
    %reduce_sum3A_573 = arith.constant dense<0> : vector<128xi32>
    %reduce_sum3A_574 = vector.multi_reduction <add>, %convert_element_type3A_572, %reduce_sum3A_573 [1] : vector<128x4096xi32> to vector<128xi32>
    %broadcast_in_dim3A_575 = vector.shape_cast %reduce_sum3A_574 : vector<128xi32> to vector<128x1xi32>
    %eq3A_576 = arith.constant 30 : i32
    %eq3A_577 = vector.broadcast %eq3A_576 : i32 to vector<128x32xi32>
    %eq3A_578 = arith.cmpi eq, %iota3A, %eq3A_577 : vector<128x32xi32>
    %jit3A_579 = arith.constant 0 : i32
    %broadcast_in_dim3A_580 = vector.shape_cast %broadcast_in_dim3A_575 : vector<128x1xi32> to vector<128x1xi32>
    %broadcast_in_dim3A_581 = vector.broadcast %broadcast_in_dim3A_580 : vector<128x1xi32> to vector<128x32xi32>
    %broadcast_in_dim3A_582 = vector.broadcast %jit3A_579 : i32 to vector<128x32xi32>
    %select_n3A_583 = arith.select %eq3A_578, %broadcast_in_dim3A_581, %broadcast_in_dim3A_582 : vector<128x32xi1>, vector<128x32xi32>
    %add3A_584 = arith.addi %add3A_568, %select_n3A_583 : vector<128x32xi32>
    %le3A_585 = arith.constant 31 : i32
    %le3A_586 = vector.broadcast %le3A_585 : i32 to vector<128x4096xi32>
    %le3A_587 = arith.cmpi sle, %add3A_91, %le3A_586 : vector<128x4096xi32>
    %convert_element_type3A_588 = arith.extui %le3A_587 : vector<128x4096xi1> to vector<128x4096xi32>
    %reduce_sum3A_589 = arith.constant dense<0> : vector<128xi32>
    %reduce_sum3A_590 = vector.multi_reduction <add>, %convert_element_type3A_588, %reduce_sum3A_589 [1] : vector<128x4096xi32> to vector<128xi32>
    %broadcast_in_dim3A_591 = vector.shape_cast %reduce_sum3A_590 : vector<128xi32> to vector<128x1xi32>
    %eq3A_592 = arith.constant 31 : i32
    %eq3A_593 = vector.broadcast %eq3A_592 : i32 to vector<128x32xi32>
    %eq3A_594 = arith.cmpi eq, %iota3A, %eq3A_593 : vector<128x32xi32>
    %jit3A_595 = arith.constant 0 : i32
    %broadcast_in_dim3A_596 = vector.shape_cast %broadcast_in_dim3A_591 : vector<128x1xi32> to vector<128x1xi32>
    %broadcast_in_dim3A_597 = vector.broadcast %broadcast_in_dim3A_596 : vector<128x1xi32> to vector<128x32xi32>
    %broadcast_in_dim3A_598 = vector.broadcast %jit3A_595 : i32 to vector<128x32xi32>
    %select_n3A_599 = arith.select %eq3A_594, %broadcast_in_dim3A_597, %broadcast_in_dim3A_598 : vector<128x32xi1>, vector<128x32xi32>
    %add3A_600 = arith.addi %add3A_584, %select_n3A_599 : vector<128x32xi32>
    %eq3A_601 = arith.constant 4096 : i32
    %eq3A_602 = vector.broadcast %eq3A_601 : i32 to vector<128x32xi32>
    %eq3A_603 = arith.cmpi eq, %add3A_600, %eq3A_602 : vector<128x32xi32>
    %jit3A_604 = arith.constant 0 : i32
    %broadcast_in_dim3A_605 = vector.broadcast %jit3A_604 : i32 to vector<128x32xi32>
    %select_n3A_606 = arith.select %eq3A_603, %broadcast_in_dim3A_605, %add3A_600 : vector<128x32xi1>, vector<128x32xi32>
    %mul3A_607 = arith.constant 4096 : i32
    %mul3A_608 = arith.muli %arg0, %mul3A_607 : i32
    %add3A_609 = vector.broadcast %mul3A_608 : i32 to vector<128x32xi32>
    %add3A_610 = arith.addi %select_n3A_606, %add3A_609 : vector<128x32xi32>
    %swap3A = arith.constant 0 : index
    %swap3A_611 = arith.constant 0 : index
    %swap3A_612 = arith.constant 0 : index
    %swap3A_613 = vector.load %arg6[%swap3A, %swap3A_611, %swap3A_612] : memref<1x128x32xi32, #tpu.memory_space<vmem>>, vector<1x128x32xi32>
    %swap3A_614 = vector.shape_cast %swap3A_613 : vector<1x128x32xi32> to vector<128x32xi32>
    %swap3A_615 = vector.shape_cast %add3A_610 : vector<128x32xi32> to vector<1x128x32xi32>
    tpu.vector_store %arg6[%swap3A, %swap3A_611, %swap3A_612], %swap3A_615 {strides = array<i32>} : memref<1x128x32xi32, #tpu.memory_space<vmem>>, vector<1x128x32xi32>,
    return
  }
  func.func @transform_0(%arg0: i32, %arg1: i32) -> (i32, i32, i32) {
    %c0_i32 = arith.constant 0 : i32
    %c0_i32_0 = arith.constant 0 : i32
    %c0_i32_1 = arith.constant 0 : i32
    return %arg0, %c0_i32, %c0_i32_0 : i32, i32, i32
  }
  func.func @transform_1(%arg0: i32, %arg1: i32) -> (i32, i32, i32) {
    %c0_i32 = arith.constant 0 : i32
    %c0_i32_0 = arith.constant 0 : i32
    %c0_i32_1 = arith.constant 0 : i32
    return %arg0, %c0_i32, %c0_i32_0 : i32, i32, i32
  }
  func.func @transform_2(%arg0: i32, %arg1: i32) -> (i32, i32, i32) {
    %c0_i32 = arith.constant 0 : i32
    %c0_i32_0 = arith.constant 0 : i32
    %c0_i32_1 = arith.constant 0 : i32
    return %arg0, %c0_i32, %c0_i32_0 : i32, i32, i32
  }
  func.func @transform_3(%arg0: i32, %arg1: i32) -> (i32, i32, i32) {
    %c0_i32 = arith.constant 0 : i32
    %c0_i32_0 = arith.constant 0 : i32
    return %arg0, %arg1, %c0_i32 : i32, i32, i32
  }
  func.func @transform_4(%arg0: i32, %arg1: i32) -> (i32, i32, i32) {
    %c0_i32 = arith.constant 0 : i32
    %c0_i32_0 = arith.constant 0 : i32
    return %arg0, %arg1, %c0_i32 : i32, i32, i32
  }
}

module attributes {stable_mosaic.version = 14 : i64} {
  func.func @_mm0_body(%arg0: i32, %arg1: memref<512x64xf32, #tpu.memory_space<vmem>>, %arg2: memref<512x16xf32, #tpu.memory_space<vmem>>, %arg3: memref<16x16xf32, #tpu.memory_space<vmem>>, %arg4: memref<64x64xf32, #tpu.memory_space<vmem>>, %arg5: memref<16x64xf32, #tpu.memory_space<vmem>>, %arg6: memref<512x64xf32, #tpu.memory_space<vmem>>, %arg7: memref<8x64xf32, #tpu.memory_space<vmem>>) attributes {dimension_semantics = [#tpu.dimension_semantics<arbitrary>], iteration_bounds = array<i64: 256>, scalar_prefetch = 0 : i64, scratch_operands = 0 : i64, tpu.core_type = #tpu.core_type<tc>, window_params = [{transform_indices = @transform_0, window_bounds = array<i64: 512, 64>}, {transform_indices = @transform_1, window_bounds = array<i64: 512, 16>}, {transform_indices = @transform_2, window_bounds = array<i64: 16, 16>}, {pipeline_mode = #tpu.pipeline_mode<synchronous>, transform_indices = @transform_3, window_bounds = array<i64: 64, 64>}, {pipeline_mode = #tpu.pipeline_mode<synchronous>, transform_indices = @transform_4, window_bounds = array<i64: 16, 64>}, {transform_indices = @transform_5, window_bounds = array<i64: 512, 64>}, {pipeline_mode = #tpu.pipeline_mode<synchronous>, transform_indices = @transform_6, window_bounds = array<i64: 8, 64>}]} {
    %get3A = arith.constant 0 : index
    %get3A_0 = arith.constant 0 : index
    %get3A_1 = vector.load %arg1[%get3A, %get3A_0] : memref<512x64xf32, #tpu.memory_space<vmem>>, vector<512x64xf32>
    %get3A_2 = arith.constant 0 : index
    %get3A_3 = arith.constant 0 : index
    %get3A_4 = vector.load %arg4[%get3A_2, %get3A_3] : memref<64x64xf32, #tpu.memory_space<vmem>>, vector<64x64xf32>
    %dot_general3A = arith.constant dense<0.000000e+00> : vector<512x64xf32>
    %dot_general3A_5 = tpu.matmul %get3A_1, %get3A_4, %dot_general3A {dimension_numbers = #tpu.dot_dimension_numbers<[1], [0], [0], [1], [0, 0, 1, 1], [], []>, transpose_lhs_hint = false} : vector<512x64xf32>, vector<64x64xf32>, vector<512x64xf32> -> vector<512x64xf32>
    %get3A_6 = arith.constant 0 : index
    %get3A_7 = arith.constant 0 : index
    %get3A_8 = vector.load %arg2[%get3A_6, %get3A_7] : memref<512x16xf32, #tpu.memory_space<vmem>>, vector<512x16xf32>
    %get3A_9 = arith.constant 0 : index
    %get3A_10 = arith.constant 0 : index
    %get3A_11 = vector.load %arg5[%get3A_9, %get3A_10] : memref<16x64xf32, #tpu.memory_space<vmem>>, vector<16x64xf32>
    %dot_general3A_12 = arith.constant dense<0.000000e+00> : vector<512x64xf32>
    %dot_general3A_13 = tpu.matmul %get3A_8, %get3A_11, %dot_general3A_12 {dimension_numbers = #tpu.dot_dimension_numbers<[1], [0], [0], [1], [0, 0, 1, 1], [], []>, transpose_lhs_hint = false} : vector<512x16xf32>, vector<16x64xf32>, vector<512x64xf32> -> vector<512x64xf32>
    %add3A = arith.addf %dot_general3A_5, %dot_general3A_13 : vector<512x64xf32>
    %get3A_14 = arith.constant 0 : index
    %get3A_15 = arith.constant 0 : index
    %get3A_16 = vector.load %arg3[%get3A_14, %get3A_15] : memref<16x16xf32, #tpu.memory_space<vmem>>, vector<16x16xf32>
    %get3A_17 = arith.constant 0 : index
    %get3A_18 = arith.constant 0 : index
    %get3A_19 = vector.load %arg5[%get3A_17, %get3A_18] : memref<16x64xf32, #tpu.memory_space<vmem>>, vector<16x64xf32>
    %dot_general3A_20 = arith.constant dense<0.000000e+00> : vector<16x64xf32>
    %dot_general3A_21 = tpu.matmul %get3A_16, %get3A_19, %dot_general3A_20 {dimension_numbers = #tpu.dot_dimension_numbers<[1], [0], [0], [1], [0, 0, 1, 1], [], []>, transpose_lhs_hint = false} : vector<16x16xf32>, vector<16x64xf32>, vector<16x64xf32> -> vector<16x64xf32>
    %broadcast_in_dim3A = vector.shape_cast %dot_general3A_21 : vector<16x64xf32> to vector<16x1x64xf32>
    %broadcast_in_dim3A_22 = vector.shape_cast %broadcast_in_dim3A : vector<16x1x64xf32> to vector<16x1x64xf32>
    %broadcast_in_dim3A_23 = vector.broadcast %broadcast_in_dim3A_22 : vector<16x1x64xf32> to vector<16x32x64xf32>
    %reshape3A = vector.shape_cast %broadcast_in_dim3A_23 : vector<16x32x64xf32> to vector<512x64xf32>
    %sub3A = arith.subf %add3A, %reshape3A : vector<512x64xf32>
    %swap3A = arith.constant 0 : index
    %swap3A_24 = arith.constant 0 : index
    %swap3A_25 = vector.load %arg6[%swap3A, %swap3A_24] : memref<512x64xf32, #tpu.memory_space<vmem>>, vector<512x64xf32>
    tpu.vector_store %arg6[%swap3A, %swap3A_24], %sub3A {strides = array<i32>} : memref<512x64xf32, #tpu.memory_space<vmem>>, vector<512x64xf32>,
    %eq3A = arith.constant 0 : i32
    %eq3A_26 = arith.cmpi eq, %arg0, %eq3A : i32
    %convert_element_type3A = arith.extui %eq3A_26 : i1 to i32
    %cond3A = arith.constant 0 : i32
    %cond3A_27 = arith.cmpi ne, %convert_element_type3A, %cond3A : i32
    scf.if %cond3A_27 {
      %broadcast_in_dim3A_40 = arith.constant 0.000000e+00 : f32
      %broadcast_in_dim3A_41 = vector.broadcast %broadcast_in_dim3A_40 : f32 to vector<8x64xf32>
      %swap3A_42 = arith.constant 0 : index
      %swap3A_43 = arith.constant 0 : index
      %swap3A_44 = vector.load %arg7[%swap3A_42, %swap3A_43] : memref<8x64xf32, #tpu.memory_space<vmem>>, vector<8x64xf32>
      tpu.vector_store %arg7[%swap3A_42, %swap3A_43], %broadcast_in_dim3A_41 {strides = array<i32>} : memref<8x64xf32, #tpu.memory_space<vmem>>, vector<8x64xf32>,
    } else {
    }
    %reduce_sum3A = arith.constant dense<0.000000e+00> : vector<64xf32>
    %reduce_sum3A_28 = vector.multi_reduction <add>, %sub3A, %reduce_sum3A [0] : vector<512x64xf32> to vector<64xf32>
    %broadcast_in_dim3A_29 = vector.shape_cast %reduce_sum3A_28 : vector<64xf32> to vector<1x64xf32>
    %mul3A = arith.mulf %sub3A, %sub3A : vector<512x64xf32>
    %reduce_sum3A_30 = arith.constant dense<0.000000e+00> : vector<64xf32>
    %reduce_sum3A_31 = vector.multi_reduction <add>, %mul3A, %reduce_sum3A_30 [0] : vector<512x64xf32> to vector<64xf32>
    %broadcast_in_dim3A_32 = vector.shape_cast %reduce_sum3A_31 : vector<64xf32> to vector<1x64xf32>
    %concatenate3A = tpu.concatenate %broadcast_in_dim3A_29, %broadcast_in_dim3A_32 in 0 : vector<1x64xf32>, vector<1x64xf32> -> vector<2x64xf32>
    %get3A_33 = arith.constant 0 : index
    %get3A_34 = arith.constant 0 : index
    %get3A_35 = vector.load %arg7[%get3A_33, %get3A_34] : memref<8x64xf32, #tpu.memory_space<vmem>>, vector<2x64xf32>
    %add3A_36 = arith.addf %get3A_35, %concatenate3A : vector<2x64xf32>
    %swap3A_37 = arith.constant 0 : index
    %swap3A_38 = arith.constant 0 : index
    %swap3A_39 = vector.load %arg7[%swap3A_37, %swap3A_38] : memref<8x64xf32, #tpu.memory_space<vmem>>, vector<2x64xf32>
    tpu.vector_store %arg7[%swap3A_37, %swap3A_38], %add3A_36 {strides = array<i32>} : memref<8x64xf32, #tpu.memory_space<vmem>>, vector<2x64xf32>,
    return
  }
  func.func @transform_0(%arg0: i32) -> (i32, i32) {
    %c0_i32 = arith.constant 0 : i32
    %c0_i32_0 = arith.constant 0 : i32
    return %arg0, %c0_i32 : i32, i32
  }
  func.func @transform_1(%arg0: i32) -> (i32, i32) {
    %c0_i32 = arith.constant 0 : i32
    %c0_i32_0 = arith.constant 0 : i32
    return %arg0, %c0_i32 : i32, i32
  }
  func.func @transform_2(%arg0: i32) -> (i32, i32) {
    %c0_i32 = arith.constant 0 : i32
    %c0_i32_0 = arith.constant 0 : i32
    return %arg0, %c0_i32 : i32, i32
  }
  func.func @transform_3(%arg0: i32) -> (i32, i32) {
    %c0_i32 = arith.constant 0 : i32
    %c0_i32_0 = arith.constant 0 : i32
    %c0_i32_1 = arith.constant 0 : i32
    return %c0_i32, %c0_i32_0 : i32, i32
  }
  func.func @transform_4(%arg0: i32) -> (i32, i32) {
    %c0_i32 = arith.constant 0 : i32
    %c0_i32_0 = arith.constant 0 : i32
    %c0_i32_1 = arith.constant 0 : i32
    return %c0_i32, %c0_i32_0 : i32, i32
  }
  func.func @transform_5(%arg0: i32) -> (i32, i32) {
    %c0_i32 = arith.constant 0 : i32
    %c0_i32_0 = arith.constant 0 : i32
    return %arg0, %c0_i32 : i32, i32
  }
  func.func @transform_6(%arg0: i32) -> (i32, i32) {
    %c0_i32 = arith.constant 0 : i32
    %c0_i32_0 = arith.constant 0 : i32
    %c0_i32_1 = arith.constant 0 : i32
    return %c0_i32, %c0_i32_0 : i32, i32
  }
}

module attributes {stable_mosaic.version = 14 : i64} {
  func.func @_mm_body(%arg0: i32, %arg1: memref<2048x64xf32, #tpu.memory_space<vmem>>, %arg2: memref<8x64xf32, #tpu.memory_space<vmem>>, %arg3: memref<8x64xf32, #tpu.memory_space<vmem>>, %arg4: memref<64x128xf32, #tpu.memory_space<vmem>>, %arg5: memref<2048x128xf32, #tpu.memory_space<vmem>>, %arg6: memref<8x128xf32, #tpu.memory_space<vmem>>) attributes {dimension_semantics = [#tpu.dimension_semantics<arbitrary>], iteration_bounds = array<i64: 64>, scalar_prefetch = 0 : i64, scratch_operands = 0 : i64, tpu.core_type = #tpu.core_type<tc>, window_params = [{transform_indices = @transform_0, window_bounds = array<i64: 2048, 64>}, {pipeline_mode = #tpu.pipeline_mode<synchronous>, transform_indices = @transform_1, window_bounds = array<i64: 8, 64>}, {pipeline_mode = #tpu.pipeline_mode<synchronous>, transform_indices = @transform_2, window_bounds = array<i64: 8, 64>}, {pipeline_mode = #tpu.pipeline_mode<synchronous>, transform_indices = @transform_3, window_bounds = array<i64: 64, 128>}, {transform_indices = @transform_4, window_bounds = array<i64: 2048, 128>}, {pipeline_mode = #tpu.pipeline_mode<synchronous>, transform_indices = @transform_5, window_bounds = array<i64: 8, 128>}]} {
    %get3A = arith.constant 0 : index
    %get3A_0 = arith.constant 0 : index
    %get3A_1 = vector.load %arg2[%get3A, %get3A_0] : memref<8x64xf32, #tpu.memory_space<vmem>>, vector<8x64xf32>
    %slice3A = vector.extract_strided_slice %get3A_1 {offsets = [0, 0], sizes = [1, 64], strides = [1, 1]} : vector<8x64xf32> to vector<1x64xf32>
    %mul3A = arith.constant 7.62939453E-6 : f32
    %mul3A_2 = vector.broadcast %mul3A : f32 to vector<1x64xf32>
    %mul3A_3 = arith.mulf %slice3A, %mul3A_2 : vector<1x64xf32>
    %slice3A_4 = vector.extract_strided_slice %get3A_1 {offsets = [1, 0], sizes = [1, 64], strides = [1, 1]} : vector<8x64xf32> to vector<1x64xf32>
    %mul3A_5 = arith.constant 7.62939453E-6 : f32
    %mul3A_6 = vector.broadcast %mul3A_5 : f32 to vector<1x64xf32>
    %mul3A_7 = arith.mulf %slice3A_4, %mul3A_6 : vector<1x64xf32>
    %mul3A_8 = arith.mulf %mul3A_3, %mul3A_3 : vector<1x64xf32>
    %sub3A = arith.subf %mul3A_7, %mul3A_8 : vector<1x64xf32>
    %get3A_9 = arith.constant 0 : index
    %get3A_10 = arith.constant 0 : index
    %get3A_11 = vector.load %arg3[%get3A_9, %get3A_10] : memref<8x64xf32, #tpu.memory_space<vmem>>, vector<1x64xf32>
    %add3A = arith.constant 9.99999974E-6 : f32
    %add3A_12 = vector.broadcast %add3A : f32 to vector<1x64xf32>
    %add3A_13 = arith.addf %sub3A, %add3A_12 : vector<1x64xf32>
    %rsqrt3A = math.rsqrt %add3A_13 : vector<1x64xf32>
    %mul3A_14 = arith.mulf %get3A_11, %rsqrt3A : vector<1x64xf32>
    %get3A_15 = arith.constant 1 : index
    %get3A_16 = arith.constant 0 : index
    %get3A_17 = vector.load %arg3[%get3A_15, %get3A_16] : memref<8x64xf32, #tpu.memory_space<vmem>>, vector<1x64xf32>
    %mul3A_18 = arith.mulf %mul3A_3, %mul3A_14 : vector<1x64xf32>
    %sub3A_19 = arith.subf %get3A_17, %mul3A_18 : vector<1x64xf32>
    %get3A_20 = arith.constant 0 : index
    %get3A_21 = arith.constant 0 : index
    %get3A_22 = vector.load %arg1[%get3A_20, %get3A_21] : memref<2048x64xf32, #tpu.memory_space<vmem>>, vector<2048x64xf32>
    %mul3A_23 = vector.broadcast %mul3A_14 : vector<1x64xf32> to vector<2048x64xf32>
    %mul3A_24 = arith.mulf %get3A_22, %mul3A_23 : vector<2048x64xf32>
    %add3A_25 = vector.broadcast %sub3A_19 : vector<1x64xf32> to vector<2048x64xf32>
    %add3A_26 = arith.addf %mul3A_24, %add3A_25 : vector<2048x64xf32>
    %max3A = arith.constant 0.000000e+00 : f32
    %max3A_27 = vector.broadcast %max3A : f32 to vector<2048x64xf32>
    %max3A_28 = arith.maximumf %add3A_26, %max3A_27 : vector<2048x64xf32>
    %get3A_29 = arith.constant 0 : index
    %get3A_30 = arith.constant 0 : index
    %get3A_31 = vector.load %arg4[%get3A_29, %get3A_30] : memref<64x128xf32, #tpu.memory_space<vmem>>, vector<64x128xf32>
    %dot_general3A = arith.constant dense<0.000000e+00> : vector<2048x128xf32>
    %dot_general3A_32 = tpu.matmul %max3A_28, %get3A_31, %dot_general3A {dimension_numbers = #tpu.dot_dimension_numbers<[1], [0], [0], [1], [0, 0, 1, 1], [], []>, transpose_lhs_hint = false} : vector<2048x64xf32>, vector<64x128xf32>, vector<2048x128xf32> -> vector<2048x128xf32>
    %swap3A = arith.constant 0 : index
    %swap3A_33 = arith.constant 0 : index
    %swap3A_34 = vector.load %arg5[%swap3A, %swap3A_33] : memref<2048x128xf32, #tpu.memory_space<vmem>>, vector<2048x128xf32>
    tpu.vector_store %arg5[%swap3A, %swap3A_33], %dot_general3A_32 {strides = array<i32>} : memref<2048x128xf32, #tpu.memory_space<vmem>>, vector<2048x128xf32>,
    %eq3A = arith.constant 0 : i32
    %eq3A_35 = arith.cmpi eq, %arg0, %eq3A : i32
    %convert_element_type3A = arith.extui %eq3A_35 : i1 to i32
    %cond3A = arith.constant 0 : i32
    %cond3A_36 = arith.cmpi ne, %convert_element_type3A, %cond3A : i32
    scf.if %cond3A_36 {
      %broadcast_in_dim3A_49 = arith.constant 0.000000e+00 : f32
      %broadcast_in_dim3A_50 = vector.broadcast %broadcast_in_dim3A_49 : f32 to vector<8x128xf32>
      %swap3A_51 = arith.constant 0 : index
      %swap3A_52 = arith.constant 0 : index
      %swap3A_53 = vector.load %arg6[%swap3A_51, %swap3A_52] : memref<8x128xf32, #tpu.memory_space<vmem>>, vector<8x128xf32>
      tpu.vector_store %arg6[%swap3A_51, %swap3A_52], %broadcast_in_dim3A_50 {strides = array<i32>} : memref<8x128xf32, #tpu.memory_space<vmem>>, vector<8x128xf32>,
    } else {
    }
    %reduce_sum3A = arith.constant dense<0.000000e+00> : vector<128xf32>
    %reduce_sum3A_37 = vector.multi_reduction <add>, %dot_general3A_32, %reduce_sum3A [0] : vector<2048x128xf32> to vector<128xf32>
    %broadcast_in_dim3A = vector.shape_cast %reduce_sum3A_37 : vector<128xf32> to vector<1x128xf32>
    %mul3A_38 = arith.mulf %dot_general3A_32, %dot_general3A_32 : vector<2048x128xf32>
    %reduce_sum3A_39 = arith.constant dense<0.000000e+00> : vector<128xf32>
    %reduce_sum3A_40 = vector.multi_reduction <add>, %mul3A_38, %reduce_sum3A_39 [0] : vector<2048x128xf32> to vector<128xf32>
    %broadcast_in_dim3A_41 = vector.shape_cast %reduce_sum3A_40 : vector<128xf32> to vector<1x128xf32>
    %concatenate3A = tpu.concatenate %broadcast_in_dim3A, %broadcast_in_dim3A_41 in 0 : vector<1x128xf32>, vector<1x128xf32> -> vector<2x128xf32>
    %get3A_42 = arith.constant 0 : index
    %get3A_43 = arith.constant 0 : index
    %get3A_44 = vector.load %arg6[%get3A_42, %get3A_43] : memref<8x128xf32, #tpu.memory_space<vmem>>, vector<2x128xf32>
    %add3A_45 = arith.addf %get3A_44, %concatenate3A : vector<2x128xf32>
    %swap3A_46 = arith.constant 0 : index
    %swap3A_47 = arith.constant 0 : index
    %swap3A_48 = vector.load %arg6[%swap3A_46, %swap3A_47] : memref<8x128xf32, #tpu.memory_space<vmem>>, vector<2x128xf32>
    tpu.vector_store %arg6[%swap3A_46, %swap3A_47], %add3A_45 {strides = array<i32>} : memref<8x128xf32, #tpu.memory_space<vmem>>, vector<2x128xf32>,
    return
  }
  func.func @transform_0(%arg0: i32) -> (i32, i32) {
    %c0_i32 = arith.constant 0 : i32
    %c0_i32_0 = arith.constant 0 : i32
    return %arg0, %c0_i32 : i32, i32
  }
  func.func @transform_1(%arg0: i32) -> (i32, i32) {
    %c0_i32 = arith.constant 0 : i32
    %c0_i32_0 = arith.constant 0 : i32
    %c0_i32_1 = arith.constant 0 : i32
    return %c0_i32, %c0_i32_0 : i32, i32
  }
  func.func @transform_2(%arg0: i32) -> (i32, i32) {
    %c0_i32 = arith.constant 0 : i32
    %c0_i32_0 = arith.constant 0 : i32
    %c0_i32_1 = arith.constant 0 : i32
    return %c0_i32, %c0_i32_0 : i32, i32
  }
  func.func @transform_3(%arg0: i32) -> (i32, i32) {
    %c0_i32 = arith.constant 0 : i32
    %c0_i32_0 = arith.constant 0 : i32
    %c0_i32_1 = arith.constant 0 : i32
    return %c0_i32, %c0_i32_0 : i32, i32
  }
  func.func @transform_4(%arg0: i32) -> (i32, i32) {
    %c0_i32 = arith.constant 0 : i32
    %c0_i32_0 = arith.constant 0 : i32
    return %arg0, %c0_i32 : i32, i32
  }
  func.func @transform_5(%arg0: i32) -> (i32, i32) {
    %c0_i32 = arith.constant 0 : i32
    %c0_i32_0 = arith.constant 0 : i32
    %c0_i32_1 = arith.constant 0 : i32
    return %c0_i32, %c0_i32_0 : i32, i32
  }
}

module attributes {stable_mosaic.version = 14 : i64} {
  func.func @_mm_body(%arg0: i32, %arg1: memref<2048x128xf32, #tpu.memory_space<vmem>>, %arg2: memref<8x128xf32, #tpu.memory_space<vmem>>, %arg3: memref<8x128xf32, #tpu.memory_space<vmem>>, %arg4: memref<128x256xf32, #tpu.memory_space<vmem>>, %arg5: memref<2048x256xf32, #tpu.memory_space<vmem>>, %arg6: memref<8x256xf32, #tpu.memory_space<vmem>>) attributes {dimension_semantics = [#tpu.dimension_semantics<arbitrary>], iteration_bounds = array<i64: 64>, scalar_prefetch = 0 : i64, scratch_operands = 0 : i64, tpu.core_type = #tpu.core_type<tc>, window_params = [{transform_indices = @transform_0, window_bounds = array<i64: 2048, 128>}, {pipeline_mode = #tpu.pipeline_mode<synchronous>, transform_indices = @transform_1, window_bounds = array<i64: 8, 128>}, {pipeline_mode = #tpu.pipeline_mode<synchronous>, transform_indices = @transform_2, window_bounds = array<i64: 8, 128>}, {pipeline_mode = #tpu.pipeline_mode<synchronous>, transform_indices = @transform_3, window_bounds = array<i64: 128, 256>}, {transform_indices = @transform_4, window_bounds = array<i64: 2048, 256>}, {pipeline_mode = #tpu.pipeline_mode<synchronous>, transform_indices = @transform_5, window_bounds = array<i64: 8, 256>}]} {
    %get3A = arith.constant 0 : index
    %get3A_0 = arith.constant 0 : index
    %get3A_1 = vector.load %arg2[%get3A, %get3A_0] : memref<8x128xf32, #tpu.memory_space<vmem>>, vector<8x128xf32>
    %slice3A = vector.extract_strided_slice %get3A_1 {offsets = [0, 0], sizes = [1, 128], strides = [1, 1]} : vector<8x128xf32> to vector<1x128xf32>
    %mul3A = arith.constant 7.62939453E-6 : f32
    %mul3A_2 = vector.broadcast %mul3A : f32 to vector<1x128xf32>
    %mul3A_3 = arith.mulf %slice3A, %mul3A_2 : vector<1x128xf32>
    %slice3A_4 = vector.extract_strided_slice %get3A_1 {offsets = [1, 0], sizes = [1, 128], strides = [1, 1]} : vector<8x128xf32> to vector<1x128xf32>
    %mul3A_5 = arith.constant 7.62939453E-6 : f32
    %mul3A_6 = vector.broadcast %mul3A_5 : f32 to vector<1x128xf32>
    %mul3A_7 = arith.mulf %slice3A_4, %mul3A_6 : vector<1x128xf32>
    %mul3A_8 = arith.mulf %mul3A_3, %mul3A_3 : vector<1x128xf32>
    %sub3A = arith.subf %mul3A_7, %mul3A_8 : vector<1x128xf32>
    %get3A_9 = arith.constant 0 : index
    %get3A_10 = arith.constant 0 : index
    %get3A_11 = vector.load %arg3[%get3A_9, %get3A_10] : memref<8x128xf32, #tpu.memory_space<vmem>>, vector<1x128xf32>
    %add3A = arith.constant 9.99999974E-6 : f32
    %add3A_12 = vector.broadcast %add3A : f32 to vector<1x128xf32>
    %add3A_13 = arith.addf %sub3A, %add3A_12 : vector<1x128xf32>
    %rsqrt3A = math.rsqrt %add3A_13 : vector<1x128xf32>
    %mul3A_14 = arith.mulf %get3A_11, %rsqrt3A : vector<1x128xf32>
    %get3A_15 = arith.constant 1 : index
    %get3A_16 = arith.constant 0 : index
    %get3A_17 = vector.load %arg3[%get3A_15, %get3A_16] : memref<8x128xf32, #tpu.memory_space<vmem>>, vector<1x128xf32>
    %mul3A_18 = arith.mulf %mul3A_3, %mul3A_14 : vector<1x128xf32>
    %sub3A_19 = arith.subf %get3A_17, %mul3A_18 : vector<1x128xf32>
    %get3A_20 = arith.constant 0 : index
    %get3A_21 = arith.constant 0 : index
    %get3A_22 = vector.load %arg1[%get3A_20, %get3A_21] : memref<2048x128xf32, #tpu.memory_space<vmem>>, vector<2048x128xf32>
    %mul3A_23 = vector.broadcast %mul3A_14 : vector<1x128xf32> to vector<2048x128xf32>
    %mul3A_24 = arith.mulf %get3A_22, %mul3A_23 : vector<2048x128xf32>
    %add3A_25 = vector.broadcast %sub3A_19 : vector<1x128xf32> to vector<2048x128xf32>
    %add3A_26 = arith.addf %mul3A_24, %add3A_25 : vector<2048x128xf32>
    %max3A = arith.constant 0.000000e+00 : f32
    %max3A_27 = vector.broadcast %max3A : f32 to vector<2048x128xf32>
    %max3A_28 = arith.maximumf %add3A_26, %max3A_27 : vector<2048x128xf32>
    %get3A_29 = arith.constant 0 : index
    %get3A_30 = arith.constant 0 : index
    %get3A_31 = vector.load %arg4[%get3A_29, %get3A_30] : memref<128x256xf32, #tpu.memory_space<vmem>>, vector<128x256xf32>
    %dot_general3A = arith.constant dense<0.000000e+00> : vector<2048x256xf32>
    %dot_general3A_32 = tpu.matmul %max3A_28, %get3A_31, %dot_general3A {dimension_numbers = #tpu.dot_dimension_numbers<[1], [0], [0], [1], [0, 0, 1, 1], [], []>, transpose_lhs_hint = false} : vector<2048x128xf32>, vector<128x256xf32>, vector<2048x256xf32> -> vector<2048x256xf32>
    %swap3A = arith.constant 0 : index
    %swap3A_33 = arith.constant 0 : index
    %swap3A_34 = vector.load %arg5[%swap3A, %swap3A_33] : memref<2048x256xf32, #tpu.memory_space<vmem>>, vector<2048x256xf32>
    tpu.vector_store %arg5[%swap3A, %swap3A_33], %dot_general3A_32 {strides = array<i32>} : memref<2048x256xf32, #tpu.memory_space<vmem>>, vector<2048x256xf32>,
    %eq3A = arith.constant 0 : i32
    %eq3A_35 = arith.cmpi eq, %arg0, %eq3A : i32
    %convert_element_type3A = arith.extui %eq3A_35 : i1 to i32
    %cond3A = arith.constant 0 : i32
    %cond3A_36 = arith.cmpi ne, %convert_element_type3A, %cond3A : i32
    scf.if %cond3A_36 {
      %broadcast_in_dim3A_49 = arith.constant 0.000000e+00 : f32
      %broadcast_in_dim3A_50 = vector.broadcast %broadcast_in_dim3A_49 : f32 to vector<8x256xf32>
      %swap3A_51 = arith.constant 0 : index
      %swap3A_52 = arith.constant 0 : index
      %swap3A_53 = vector.load %arg6[%swap3A_51, %swap3A_52] : memref<8x256xf32, #tpu.memory_space<vmem>>, vector<8x256xf32>
      tpu.vector_store %arg6[%swap3A_51, %swap3A_52], %broadcast_in_dim3A_50 {strides = array<i32>} : memref<8x256xf32, #tpu.memory_space<vmem>>, vector<8x256xf32>,
    } else {
    }
    %reduce_sum3A = arith.constant dense<0.000000e+00> : vector<256xf32>
    %reduce_sum3A_37 = vector.multi_reduction <add>, %dot_general3A_32, %reduce_sum3A [0] : vector<2048x256xf32> to vector<256xf32>
    %broadcast_in_dim3A = vector.shape_cast %reduce_sum3A_37 : vector<256xf32> to vector<1x256xf32>
    %mul3A_38 = arith.mulf %dot_general3A_32, %dot_general3A_32 : vector<2048x256xf32>
    %reduce_sum3A_39 = arith.constant dense<0.000000e+00> : vector<256xf32>
    %reduce_sum3A_40 = vector.multi_reduction <add>, %mul3A_38, %reduce_sum3A_39 [0] : vector<2048x256xf32> to vector<256xf32>
    %broadcast_in_dim3A_41 = vector.shape_cast %reduce_sum3A_40 : vector<256xf32> to vector<1x256xf32>
    %concatenate3A = tpu.concatenate %broadcast_in_dim3A, %broadcast_in_dim3A_41 in 0 : vector<1x256xf32>, vector<1x256xf32> -> vector<2x256xf32>
    %get3A_42 = arith.constant 0 : index
    %get3A_43 = arith.constant 0 : index
    %get3A_44 = vector.load %arg6[%get3A_42, %get3A_43] : memref<8x256xf32, #tpu.memory_space<vmem>>, vector<2x256xf32>
    %add3A_45 = arith.addf %get3A_44, %concatenate3A : vector<2x256xf32>
    %swap3A_46 = arith.constant 0 : index
    %swap3A_47 = arith.constant 0 : index
    %swap3A_48 = vector.load %arg6[%swap3A_46, %swap3A_47] : memref<8x256xf32, #tpu.memory_space<vmem>>, vector<2x256xf32>
    tpu.vector_store %arg6[%swap3A_46, %swap3A_47], %add3A_45 {strides = array<i32>} : memref<8x256xf32, #tpu.memory_space<vmem>>, vector<2x256xf32>,
    return
  }
  func.func @transform_0(%arg0: i32) -> (i32, i32) {
    %c0_i32 = arith.constant 0 : i32
    %c0_i32_0 = arith.constant 0 : i32
    return %arg0, %c0_i32 : i32, i32
  }
  func.func @transform_1(%arg0: i32) -> (i32, i32) {
    %c0_i32 = arith.constant 0 : i32
    %c0_i32_0 = arith.constant 0 : i32
    %c0_i32_1 = arith.constant 0 : i32
    return %c0_i32, %c0_i32_0 : i32, i32
  }
  func.func @transform_2(%arg0: i32) -> (i32, i32) {
    %c0_i32 = arith.constant 0 : i32
    %c0_i32_0 = arith.constant 0 : i32
    %c0_i32_1 = arith.constant 0 : i32
    return %c0_i32, %c0_i32_0 : i32, i32
  }
  func.func @transform_3(%arg0: i32) -> (i32, i32) {
    %c0_i32 = arith.constant 0 : i32
    %c0_i32_0 = arith.constant 0 : i32
    %c0_i32_1 = arith.constant 0 : i32
    return %c0_i32, %c0_i32_0 : i32, i32
  }
  func.func @transform_4(%arg0: i32) -> (i32, i32) {
    %c0_i32 = arith.constant 0 : i32
    %c0_i32_0 = arith.constant 0 : i32
    return %arg0, %c0_i32 : i32, i32
  }
  func.func @transform_5(%arg0: i32) -> (i32, i32) {
    %c0_i32 = arith.constant 0 : i32
    %c0_i32_0 = arith.constant 0 : i32
    %c0_i32_1 = arith.constant 0 : i32
    return %c0_i32, %c0_i32_0 : i32, i32
  }
}

module attributes {stable_mosaic.version = 14 : i64} {
  func.func @_final_body(%arg0: i32, %arg1: memref<4096x256xf32, #tpu.memory_space<vmem>>, %arg2: memref<8x256xf32, #tpu.memory_space<vmem>>, %arg3: memref<8x256xf32, #tpu.memory_space<vmem>>, %arg4: memref<128x256xf32, #tpu.memory_space<vmem>>) attributes {dimension_semantics = [#tpu.dimension_semantics<arbitrary>], iteration_bounds = array<i64: 32>, scalar_prefetch = 0 : i64, scratch_operands = 0 : i64, tpu.core_type = #tpu.core_type<tc>, window_params = [{transform_indices = @transform_0, window_bounds = array<i64: 4096, 256>}, {pipeline_mode = #tpu.pipeline_mode<synchronous>, transform_indices = @transform_1, window_bounds = array<i64: 8, 256>}, {pipeline_mode = #tpu.pipeline_mode<synchronous>, transform_indices = @transform_2, window_bounds = array<i64: 8, 256>}, {transform_indices = @transform_3, window_bounds = array<i64: 128, 256>}]} {
    %get3A = arith.constant 0 : index
    %get3A_0 = arith.constant 0 : index
    %get3A_1 = vector.load %arg2[%get3A, %get3A_0] : memref<8x256xf32, #tpu.memory_space<vmem>>, vector<8x256xf32>
    %slice3A = vector.extract_strided_slice %get3A_1 {offsets = [0, 0], sizes = [1, 256], strides = [1, 1]} : vector<8x256xf32> to vector<1x256xf32>
    %mul3A = arith.constant 7.62939453E-6 : f32
    %mul3A_2 = vector.broadcast %mul3A : f32 to vector<1x256xf32>
    %mul3A_3 = arith.mulf %slice3A, %mul3A_2 : vector<1x256xf32>
    %slice3A_4 = vector.extract_strided_slice %get3A_1 {offsets = [1, 0], sizes = [1, 256], strides = [1, 1]} : vector<8x256xf32> to vector<1x256xf32>
    %mul3A_5 = arith.constant 7.62939453E-6 : f32
    %mul3A_6 = vector.broadcast %mul3A_5 : f32 to vector<1x256xf32>
    %mul3A_7 = arith.mulf %slice3A_4, %mul3A_6 : vector<1x256xf32>
    %mul3A_8 = arith.mulf %mul3A_3, %mul3A_3 : vector<1x256xf32>
    %sub3A = arith.subf %mul3A_7, %mul3A_8 : vector<1x256xf32>
    %get3A_9 = arith.constant 0 : index
    %get3A_10 = arith.constant 0 : index
    %get3A_11 = vector.load %arg3[%get3A_9, %get3A_10] : memref<8x256xf32, #tpu.memory_space<vmem>>, vector<1x256xf32>
    %add3A = arith.constant 9.99999974E-6 : f32
    %add3A_12 = vector.broadcast %add3A : f32 to vector<1x256xf32>
    %add3A_13 = arith.addf %sub3A, %add3A_12 : vector<1x256xf32>
    %rsqrt3A = math.rsqrt %add3A_13 : vector<1x256xf32>
    %mul3A_14 = arith.mulf %get3A_11, %rsqrt3A : vector<1x256xf32>
    %get3A_15 = arith.constant 1 : index
    %get3A_16 = arith.constant 0 : index
    %get3A_17 = vector.load %arg3[%get3A_15, %get3A_16] : memref<8x256xf32, #tpu.memory_space<vmem>>, vector<1x256xf32>
    %mul3A_18 = arith.mulf %mul3A_3, %mul3A_14 : vector<1x256xf32>
    %sub3A_19 = arith.subf %get3A_17, %mul3A_18 : vector<1x256xf32>
    %get3A_20 = arith.constant 0 : index
    %get3A_21 = arith.constant 0 : index
    %get3A_22 = vector.load %arg1[%get3A_20, %get3A_21] : memref<4096x256xf32, #tpu.memory_space<vmem>>, vector<4096x256xf32>
    %mul3A_23 = vector.broadcast %mul3A_14 : vector<1x256xf32> to vector<4096x256xf32>
    %mul3A_24 = arith.mulf %get3A_22, %mul3A_23 : vector<4096x256xf32>
    %add3A_25 = vector.broadcast %sub3A_19 : vector<1x256xf32> to vector<4096x256xf32>
    %add3A_26 = arith.addf %mul3A_24, %add3A_25 : vector<4096x256xf32>
    %max3A = arith.constant 0.000000e+00 : f32
    %max3A_27 = vector.broadcast %max3A : f32 to vector<4096x256xf32>
    %max3A_28 = arith.maximumf %add3A_26, %max3A_27 : vector<4096x256xf32>
    %reshape3A = vector.shape_cast %max3A_28 : vector<4096x256xf32> to vector<128x32x256xf32>
    %reduce_max3A = arith.constant dense<0xFF800000> : vector<128x256xf32>
    %reduce_max3A_29 = vector.multi_reduction <maximumf>, %reshape3A, %reduce_max3A [1] : vector<128x32x256xf32> to vector<128x256xf32>
    %swap3A = arith.constant 0 : index
    %swap3A_30 = arith.constant 0 : index
    %swap3A_31 = vector.load %arg4[%swap3A, %swap3A_30] : memref<128x256xf32, #tpu.memory_space<vmem>>, vector<128x256xf32>
    tpu.vector_store %arg4[%swap3A, %swap3A_30], %reduce_max3A_29 {strides = array<i32>} : memref<128x256xf32, #tpu.memory_space<vmem>>, vector<128x256xf32>,
    return
  }
  func.func @transform_0(%arg0: i32) -> (i32, i32) {
    %c0_i32 = arith.constant 0 : i32
    %c0_i32_0 = arith.constant 0 : i32
    return %arg0, %c0_i32 : i32, i32
  }
  func.func @transform_1(%arg0: i32) -> (i32, i32) {
    %c0_i32 = arith.constant 0 : i32
    %c0_i32_0 = arith.constant 0 : i32
    %c0_i32_1 = arith.constant 0 : i32
    return %c0_i32, %c0_i32_0 : i32, i32
  }
  func.func @transform_2(%arg0: i32) -> (i32, i32) {
    %c0_i32 = arith.constant 0 : i32
    %c0_i32_0 = arith.constant 0 : i32
    %c0_i32_1 = arith.constant 0 : i32
    return %c0_i32, %c0_i32_0 : i32, i32
  }
  func.func @transform_3(%arg0: i32) -> (i32, i32) {
    %c0_i32 = arith.constant 0 : i32
    %c0_i32_0 = arith.constant 0 : i32
    return %arg0, %c0_i32 : i32, i32
  }
}

</mosaic_0001>

<sc_bundles>
// kernel: kernel.9.cloned.1.call-start
scs
__scs_entry_jumppad:
0x0: {  	(pc) =	sbr.rel $0x88, $3  }
0x1: {  	(tag) =	ssettag $0x0;
	lr =	simm.s32 $0x1  }
0x2: {  	[smem:$0x3F96] =	sst lr;
	_ =	strace $0xD0000000  }
0x3: {  	_ = 	snop  }
0x4: {  	_ = 	snop  }
0x5: {  	_ = 	snop  }
0x6: {  	_ = 	snop  }
0x7: {  	_ = 	snop  }
__scs_overlays_trampoline_lowered:
0x8: {  	[smem:$0x3FA5] =	sst s0  }
0x9: {  	[smem:$0x3FA6] =	sst s1  }
0xa: {  	[smem:$0x3FA7] =	sst s2  }
0xb: {  	[smem:$0x3FA8] =	sst s3  }
0xc: {  	[smem:$0x3FA9] =	sst s4  }
0xd: {  	[smem:$0x3FAA] =	sst s5  }
0xe: {  	[smem:$0x3FAB] =	sst s6  }
0xf: {  	[smem:$0x3FAC] =	sst s7  }
0x10: {  	[smem:$0x3FAD] =	sst s8  }
0x11: {  	[smem:$0x3FAE] =	sst s9;
	s0 =	simm.s32 @!p0 $0x0  }
0x12: {  	s1 =	sld [smem:$0x3F94];
	s0 =	simm.s32 @p0 $0x1  }
0x13: {  	[smem:$0x3FAF] =	sst s0;
	s0 =	simm.s32 @!p1 $0x0  }
0x14: {  	s2 =	sld [smem:$0x3F93];
	s0 =	simm.s32 @p1 $0x1  }
0x15: {  	[smem:$0x3FB0] =	sst s0;
	s0 =	simm.s32 @!p2 $0x0  }
0x16: {  	s3 =	sld [smem:$0x3FDB];
	s0 =	simm.s32 @p2 $0x1  }
0x17: {  	s4 =	simm.s32 $0x1BF5;
	[smem:$0x3FB2] =	sst s0  }
0x18: {  	s0 =	sld [smem:$0x3F95];
	_ =	swait.ge [sflag:s4], $0x0  }
0x19: {  	s7 =	sld [smem:$0x3F96]  }
0x1a: {  	s8 =	sadd.s32 $0xFFFFE003, lr  }
0x1b: {  	s9 =	sadd.s32 $0xFFFFFEF7, lr;
	s5 =	simm.s32 $0xFFFFFFFF;
	p2 =	slt.u32 s8, $0xFFFFF086  }
0x1c: {  	p1 =	slt.u32 s9, $0xF7A;
	s5 =	simm.s32 @!p2 $0x0  }
0x1d: {  	s5 =	simm.s32 @p1 $0x1;
	p0 =	seq.s32 s7, s2  }
0x1e: {  	s7 =	smul.u32 @!p0 $0xF7A, s2;
	p2 =	seq.s32 @!p0 s5, $0x0  }
0x1f: {  	s9 =	smul.u32 $0xF7A, s1;
	s8 =	simm.s32 @!p0 $0x1BF5;
	p2 =	por !p2, p0  }
0x20: {  	[sflag:s8] =	ssyncset.s32 @!p0 $0xFFFFF086;
	s6 =	sadd.s32 @!p0 s3, s7;
	s7 =	simm.s32 @!p0 $0x108  }
0x21: {  	s3 =	sadd.s32 s3, s9;
	s6 =	sadd.s32 @!p0 $0x88, s6;
	s7 =	simm.s32 @p2 $0x1082  }
0x22: {  	[simem:s7], [sflag:s8] =	dma.local @!p0 [hbm:s6], $0xF7A  }
0x23: {  	s9 =	sor.u32 $0xD0000000, s2;
	s6 =	simm.s32 $0x108;
	_ =	swait.ge @!p0 [sflag:s8], $0x0  }
0x24: {  	s3 =	sadd.s32 $0x88, s3;
	s6 =	simm.s32 @!p1 $0x1082;
	[sflag:s4] =	ssyncset.s32 $0xFFFFF086  }
0x25: {  	[simem:s6], [sflag:s4] =	dma.local [hbm:s3], $0xF7A  }
0x26: {  	[smem:$0x3F96] =	sst s1;
	(tag) =	ssettag s2;
	_ =	strace s9  }
0x27: {  	s1 =	sld [smem:$0x3FA6]  }
0x28: {  	s2 =	sld [smem:$0x3FA7]  }
0x29: {  	s4 =	sld [smem:$0x3FA9]  }
0x2a: {  	p0 =	seq.s32 s5, $0x0;
	s5 =	sld [smem:$0x3FAA]  }
0x2b: {  	s6 =	sld [smem:$0x3FAB]  }
0x2c: {  	s7 =	sld [smem:$0x3FAC]  }
0x2d: {  	s3 =	simm.s32 $0x108;
	s8 =	sld [smem:$0x3FAD]  }
0x2e: {  	s3 =	simm.s32 @!p0 $0x1082;
	s9 =	sld [smem:$0x3FAE]  }
0x2f: {  	lr =	sadd.s32 s0, s3;
	s0 =	sld [smem:$0x3FA5]  }
0x30: {  	s3 =	sld [smem:$0x3FA8]  }
0x31: {  	[smem:$0x3FB1] =	sst s10  }
0x32: {  	s10 =	sld [smem:$0x3FAF];
	_ =	sdelay $0x3  }
0x33: {  	p0 =	seq.s32 s10, $0x1;
	s10 =	sld [smem:$0x3FB1];
	_ =	sdelay $0x3  }
0x34: {  	[smem:$0x3FB1] =	sst s10  }
0x35: {  	s10 =	sld [smem:$0x3FB0];
	_ =	sdelay $0x3  }
0x36: {  	p1 =	seq.s32 s10, $0x1;
	s10 =	sld [smem:$0x3FB1];
	_ =	sdelay $0x3  }
0x37: {  	[smem:$0x3FB1] =	sst s10  }
0x38: {  	s10 =	sld [smem:$0x3FB2]  }
0x39: {  	_ = 	snop;
	(pc) =	sbr.ind lr, $3  }
0x3a: {  	_ = 	snop  }
0x3b: {  	_ = 	snop  }
0x3c: {  	p2 =	seq.s32 s10, $0x1;
	s10 =	sld [smem:$0x3FB1]  }
0x3d: {  	_ =	shalt  }
0x3e: {  	_ =	shalt  }
0x3f: {  	_ =	shalt  }
0x40: {  	_ =	shalt  }
0x41: {  	_ =	shalt  }
0x42: {  	_ =	shalt  }
0x43: {  	_ =	shalt  }
0x44: {  	_ =	shalt  }
0x45: {  	_ =	shalt  }
0x46: {  	_ =	shalt  }
0x47: {  	_ =	shalt  }
0x48: {  	_ =	shalt  }
0x49: {  	_ =	shalt  }
0x4a: {  	_ =	shalt  }
0x4b: {  	_ =	shalt  }
0x4c: {  	_ =	shalt  }
0x4d: {  	_ =	shalt  }
0x4e: {  	_ =	shalt  }
0x4f: {  	_ =	shalt  }
0x50: {  	_ =	shalt  }
0x51: {  	_ =	shalt  }
0x52: {  	_ =	shalt  }
0x53: {  	_ =	shalt  }
0x54: {  	_ =	shalt  }
0x55: {  	_ =	shalt  }
0x56: {  	_ =	shalt  }
0x57: {  	_ =	shalt  }
0x58: {  	_ =	shalt  }
0x59: {  	_ =	shalt  }
0x5a: {  	_ =	shalt  }
0x5b: {  	_ =	shalt  }
0x5c: {  	_ =	shalt  }
0x5d: {  	_ =	shalt  }
0x5e: {  	_ =	shalt  }
0x5f: {  	_ =	shalt  }
0x60: {  	_ =	shalt  }
0x61: {  	_ =	shalt  }
0x62: {  	_ =	shalt  }
0x63: {  	_ =	shalt  }
0x64: {  	_ =	shalt  }
0x65: {  	_ =	shalt  }
0x66: {  	_ =	shalt  }
0x67: {  	_ =	shalt  }
0x68: {  	_ =	shalt  }
0x69: {  	_ =	shalt  }
0x6a: {  	_ =	shalt  }
0x6b: {  	_ =	shalt  }
0x6c: {  	_ =	shalt  }
0x6d: {  	_ =	shalt  }
0x6e: {  	_ =	shalt  }
0x6f: {  	_ =	shalt  }
0x70: {  	_ =	shalt  }
0x71: {  	_ =	shalt  }
0x72: {  	_ =	shalt  }
0x73: {  	_ =	shalt  }
0x74: {  	_ =	shalt  }
0x75: {  	_ =	shalt  }
0x76: {  	_ =	shalt  }
0x77: {  	_ =	shalt  }
0x78: {  	_ =	shalt  }
0x79: {  	_ =	shalt  }
0x7a: {  	_ =	shalt  }
0x7b: {  	_ =	shalt  }
0x7c: {  	_ =	shalt  }
0x7d: {  	_ =	shalt  }
0x7e: {  	_ =	shalt  }
0x7f: {  	_ =	shalt  }
0x80: {  	_ =	shalt  }
0x81: {  	_ =	shalt  }
0x82: {  	_ =	shalt  }
0x83: {  	_ =	shalt  }
0x84: {  	_ =	shalt  }
0x85: {  	_ =	shalt  }
0x86: {  	_ =	shalt  }
0x87: {  	_ =	shalt  }
.Lfunc_end0:
.L_simem_size_0:
called_computation_lowered:
.L_overlay_start_0:
0x88: {  	s2 =	sld [smem:$0x3FD9]  }
0x89: {  	s3 =	sld [smem:$0x3FFE];
	_ =	sdelay $0x1  }
0x8a: {  	s1 =	srdreg.scid  }
0x8b: {  	s0 =	sand.u32 $0x1, s1  }
0x8c: {  	s14 =	sshll.u32 s0, $0xA;
	s2 =	sadd.s32 s3, s2  }
0x8d: {  	s2 =	sadd.s32 s2, s14  }
0x8e: {  	[smem:$0x3FBD] =	sst s2  }
0x8f: {  	_ = 	snop  }
0x90: {  	s2 =	sld [smem:$0x3FD0];
	_ =	sdelay $0x2  }
0x91: {  	s15 =	simm.s32 $0xA;
	s4 =	simm.s32 $0x10  }
0x92: {  	[smem:s4], [sflag:s15] =	dma.local [hbm:s2], $0x1  }
0x93: {  	_ =	swait.eq [sflag:s15], $0x1  }
0x94: {  	[sflag:s15] =	ssyncset.done $0x0  }
0x95: {  	[sflag:s15] =	ssyncadd.s32 $0xFFFFFFFF  }
0x96: {  	s16 =	sld [smem:$0x11];
	(tm) =	ssettm $0x1  }
0x97: {  	s17 =	sld [smem:$0x3FFB];
	_ =	sdelay $0x3  }
0x98: {  	_ =	strace s17  }
0x99: {  	s3 =	sld [smem:$0x3FFC];
	_ =	sdelay $0x3  }
0x9a: {  	_ =	strace s3  }
0x9b: {  	s3 =	sld [smem:$0x3FFD];
	_ =	sdelay $0x3  }
0x9c: {  	_ =	strace s3  }
0x9d: {  	_ =	strace $0x8FFFFFFF  }
0x9e: {  	s18 =	sld [smem:$0x3FDB];
	_ =	sdelay $0x1  }
0x9f: {  	s19 =	simm.s32 $_scs_section_size  }
0xa0: {  	s5 =	simm.s32 $_size__tile_overlayer_lowered;
	s6 =	simm.s32 $_tile_overlayer_lowered  }
0xa1: {  	s22 =	simm.s32 $0x1BFF;
	s21 =	sshll.u32 s6, $0x1;
	s3 =	sadd.s32 s19, s18  }
0xa2: {  	s7 =	simm.s32 $0x0;
	s20 =	sshll.u32 s5, $0x1;
	s5 =	sadd.s32 s21, s3  }
0xa3: {  	[timem:s7], [sflag:s22] =	dma.local [hbm:s5], s20  }
0xa4: {  	_ =	swait.ge [sflag:s22], s20  }
0xa5: {  	s4 =	ssub.s32 $0x0, s20;
	[sflag:s22] =	ssyncset.done $0x0  }
0xa6: {  	[sflag:s22] =	ssyncadd.s32 s4;
	_ =	sdelay $0x1  }
0xa7: {  	s23 =	simm.s32 $0x1B8B  }
0xa8: {  	_ =	swait.ge [sflag:s23], $0x1  }
0xa9: {  	[sflag:s23] =	ssyncset.done $0x0  }
0xaa: {  	s25 =	simm.s32 $0x1B8E;
	s24 =	sld [smem:$0x3FFE];
	[sflag:s23] =	ssyncadd.s32 $0xFFFFFFFF  }
0xab: {  	s26 =	simm.s32 $execute0_lowered;
	[smem:$0x3FD2] =	sst s25  }
0xac: {  	s5 =	sshll.u32 s26, $0x1;
	_ =	strace $0x80000046;
	[dreg:$0x1] =	wrdreg $0xFFFFFFFF  }
0xad: {  	s28 =	simm.s32 $_size_execute0_lowered;
	s3 =	sadd.s32 s3, s5;
	[dreg:$0x0] =	wrdreg $0x0  }
0xae: {  	s5 =	sshll.u32 s28, $0x1;
	[dreg:$0x2] =	wrdreg s3  }
0xaf: {  	[dreg:$0x3] =	wrdreg s5  }
0xb0: {  	[dreg:$0x4] =	wrdreg $0xC0  }
0xb1: {  	_ =	task [dreg:s7], $0x5FFFF  }
0xb2: {  	[dreg:$0x1] =	wrdreg $0xFFFFFFFF  }
0xb3: {  	[dreg:$0x0] =	wrdreg $0x60  }
0xb4: {  	[dreg:$0x2] =	wrdreg s24  }
0xb5: {  	[dreg:$0x3] =	wrdreg s16  }
0xb6: {  	[dreg:$0x4] =	wrdreg $0x9  }
0xb7: {  	_ =	task.clear_ibuf [dreg:s7], $0x5FFFF;
	_ =	strace $0x90000046  }
0xb8: {  	s29 =	simm.s32 $0x9;
	_ =	strace $0x80000048  }
0xb9: {  	_ =	swait.ge [sflag:s29], $0x1  }
0xba: {  	[sflag:s29] =	ssyncadd.s32 $0xFFFFFFFF  }
0xbb: {  	_ =	strace $0x90000048  }
0xbc: {  	_ =	sfence  }
0xbd: {  	s30 =	sld [smem:$0x0];
	_ =	sdelay $0x2  }
0xbe: {  	s31 =	sshll.u32 s1, $0xD;
	s1 =	sshrl.u32 s1, $0x2  }
0xbf: {  	s3 =	sand.u32 $0x4000, s31;
	s1 =	sadd.s32 s1, s30  }
0xc0: {  	s0 =	sor.u32 s3, s0;
	s1 =	sshll.u32 s1, $0x11  }
0xc1: {  	s0 =	sor.u32 s1, s0  }
0xc2: {  	s0 =	sadd.s32 $0x8F2B, s0  }
0xc3: {  	[sflag:s0] =	ssyncadd.remote.s32 $0x1  }
0xc4: {  	_ =	sfence.sel $0xFFFF  }
0xc5: {  	[dreg:$0x0] =	wrdreg $0xFFFFFFFF;
	(pc) =	sbr.abs _section_cstart, $3  }
0xc6: {  	[dreg:$0x1] =	wrdreg $0xFFFFFFFF  }
0xc7: {  	_ =	task.clear_ibuf [dreg:s7], $0x2FFFF;
	_ =	strace $0x9FFFFFFF  }
0xc8: {  	(tm) =	ssettm $0x7FFFFFFF  }
0xc9: {  	_ =	shalt  }
tec
execute0_lowered:
.L_overlay_start_1:
0x0: {  	(tag) =	ssettag $0x1  }
0x1: {  	s5 =	rddreg [dreg:$0x0]  }
0x2: {  	s2 =	rddreg [dreg:$0x1];
	s3 =	srdreg.scid  }
0x3: {  	s0 =	rddreg [dreg:$0x2];
	s1 =	stileid.u32  }
0x4: {  	s12 =	simm.s32 $0x1;
	s13 =	simm.s32 $0x0;
	s6 =	sand.u32 $0x1, s3  }
0x5: {  	s3 =	simm.s32 $0x0;
	s4 =	sshll.u32 s1, $0xD;
	s29 =	sshll.u32 s1, $0x10  }
0x6: {  	s9 =	sshll.u32 s1, $0xE;
	s7 =	sshll.u32 s6, $0xC;
	[smem:$0x7FF] =	sst s3  }
0x7: {  	s30 =	ssub.s32 $0x2, s6;
	s11 =	sshll.u32 s6, $0xD;
	s7 =	sor.u32 s7, s4  }
0x8: {  	s6 =	sshll.u32 s6, $0xF;
	_ =	strace $0x80000047;
	s7 =	sshrl.u32 s7, $0x3  }
0x9: {  	s4 =	sadd.s32 $0x82E00, s5;
	s10 =	sshrl.u32 s30, $0x1;
	s8 =	sadd.s32 s7, s5  }
0xa: {  	s7 =	sadd.s32 s29, s5;
	s5 =	sadd.s32 s9, s5;
	s9 =	ssub.s32 s30, s10  }
0xb: {  	s10 =	simm.s32 $0x80;
	s31 =	sadd.s32 s11, s5;
	s7 =	sadd.s32 s6, s7  }
0xc: {  	s5 =	smax.u32 s9, $0x1;
	s8 =	sadd.s32 $0x2E00, s8;
	s9 =	simm.s32 $0x2  }
0xd: {  	s11 =	simm.s32 $0x2080;
	s6 =	sadd.s32 $0x6E00, s31;
	s7 =	sadd.s32 $0xC2E00, s7  }
.LBB2_1:
0xe: {  	s14 =	sadd.s32 $0x0, s8  }
0xf: {  	[tilespmem:s3], [sflag:$0x2] =	stream.linear.gather [hbm4b:s14+s3], $0x80, $0x38;
	[tilespmem:$0x2880] =	vst v63  }
0x10: {  	_ =	swait.ge [sflag:s9], $0x80  }
0x11: {  	[sflag:s9] =	ssyncset.done $0x0  }
0x12: {  	[sflag:s9] =	ssyncadd.s32 $0xFFFFFF80  }
0x13: {  	[tilespmem:s10], [sflag:$0x1] =	stream.indirect.gather [hbm4b:s4+s10], $0x40, s3, s10, $0xb8;
	[tilespmem:$0x2880] =	vst v63  }
0x14: {  	_ = 	snop  }
0x15: {  	[tilespmem:s11], [sflag:$0x1] =	stream.indirect.gather [hbm4b:s2+s10], $0x10, s3, s10, $0xb8;
	[tilespmem:$0x2880] =	vst v63  }
0x16: {  	_ =	swait.ge [sflag:s12], $0x2000  }
0x17: {  	[sflag:s12] =	ssyncset.done $0x0  }
0x18: {  	[sflag:s12] =	ssyncadd.s32 $0xFFFFE000  }
0x19: {  	_ =	swait.ge [sflag:s12], $0x800  }
0x1a: {  	[sflag:s12] =	ssyncset.done $0x0  }
0x1b: {  	[sflag:s12] =	ssyncadd.s32 $0xFFFFF800  }
0x1c: {  	[hbm4b:s7+s3] =	stream.linear.scatter [tilespmem:s10], [sflag:$0x2], $0x2000, $0x38;
	[tilespmem:$0x2880] =	vst v63  }
0x1d: {  	_ =	swait.ge [sflag:s9], $0x2000  }
0x1e: {  	[sflag:s9] =	ssyncset.done $0x0  }
0x1f: {  	[sflag:s9] =	ssyncadd.s32 $0xFFFFE000  }
0x20: {  	[hbm4b:s6+s3] =	stream.linear.scatter [tilespmem:s11], [sflag:$0x2], $0x800, $0x38;
	[tilespmem:$0x2880] =	vst v63  }
0x21: {  	s16 =	simm.s32 $0x10;
	s17 =	simm.s32 $0x20;
	_ =	swait.ge [sflag:s9], $0x800  }
0x22: {  	s15 =	sadd.s32 $0x400, s7;
	s14 =	sadd.s32 $0x100, s6;
	[sflag:s9] =	ssyncset.done $0x0  }
.LBB2_2:
0x23: {  	s18 =	sadd.s32 s16, s8  }
0x24: {  	[sflag:s9] =	ssyncadd.s32 $0xFFFFF800;
	s16 =	smov.u32 s17;
	s19 =	sadd.s32 $0x10, s17  }
0x25: {  	[tilespmem:s3], [sflag:$0x2] =	stream.linear.gather [hbm4b:s18+s3], $0x80, $0x38;
	[tilespmem:$0x2880] =	vst v63  }
0x26: {  	p0 =	sne.s32 s17, $0x1F0;
	_ =	swait.ge [sflag:s9], $0x80  }
0x27: {  	[sflag:s9] =	ssyncset.done $0x0  }
0x28: {  	[sflag:s9] =	ssyncadd.s32 $0xFFFFFF80  }
0x29: {  	[tilespmem:s10], [sflag:$0x1] =	stream.indirect.gather [hbm4b:s4+s10], $0x40, s3, s10, $0xb8;
	[tilespmem:$0x2880] =	vst v63  }
0x2a: {  	_ = 	snop  }
0x2b: {  	[tilespmem:s11], [sflag:$0x1] =	stream.indirect.gather [hbm4b:s2+s10], $0x10, s3, s10, $0xb8;
	[tilespmem:$0x2880] =	vst v63  }
0x2c: {  	_ =	swait.ge [sflag:s12], $0x2000  }
0x2d: {  	[sflag:s12] =	ssyncset.done $0x0  }
0x2e: {  	[sflag:s12] =	ssyncadd.s32 $0xFFFFE000  }
0x2f: {  	_ =	swait.ge [sflag:s12], $0x800  }
0x30: {  	[sflag:s12] =	ssyncset.done $0x0  }
0x31: {  	[sflag:s12] =	ssyncadd.s32 $0xFFFFF800  }
0x32: {  	[hbm4b:s15+s3] =	stream.linear.scatter [tilespmem:s10], [sflag:$0x2], $0x2000, $0x38;
	[tilespmem:$0x2880] =	vst v63  }
0x33: {  	_ =	swait.ge [sflag:s9], $0x2000  }
.Ltmp0:
0x34: {  	[sflag:s9] =	ssyncset.done $0x0;
	(pc) =	sbr.rel @p0 .LBB2_2-.Ltmp0, $4  }
0x35: {  	[sflag:s9] =	ssyncadd.s32 $0xFFFFE000  }
0x36: {  	[hbm4b:s14+s3] =	stream.linear.scatter [tilespmem:s11], [sflag:$0x2], $0x800, $0x38;
	[tilespmem:$0x2880] =	vst v63  }
0x37: {  	s17 =	smov.u32 s19;
	_ =	swait.ge [sflag:s9], $0x800  }
0x38: {  	s15 =	sadd.s32 $0x400, s15;
	s14 =	sadd.s32 $0x100, s14;
	[sflag:s9] =	ssyncset.done $0x0  }
0x39: {  	s16 =	sadd.s32 s16, s8;
	[sflag:s9] =	ssyncadd.s32 $0xFFFFF800  }
0x3a: {  	[tilespmem:s3], [sflag:$0x2] =	stream.linear.gather [hbm4b:s16+s3], $0x80, $0x38;
	[tilespmem:$0x2880] =	vst v63  }
0x3b: {  	_ =	swait.ge [sflag:s9], $0x80  }
0x3c: {  	[sflag:s9] =	ssyncset.done $0x0  }
0x3d: {  	[sflag:s9] =	ssyncadd.s32 $0xFFFFFF80  }
0x3e: {  	[tilespmem:s10], [sflag:$0x1] =	stream.indirect.gather [hbm4b:s4+s10], $0x40, s3, s10, $0xb8;
	[tilespmem:$0x2880] =	vst v63  }
0x3f: {  	_ = 	snop  }
0x40: {  	[tilespmem:s11], [sflag:$0x1] =	stream.indirect.gather [hbm4b:s2+s10], $0x10, s3, s10, $0xb8;
	[tilespmem:$0x2880] =	vst v63  }
0x41: {  	_ =	swait.ge [sflag:s12], $0x2000  }
0x42: {  	[sflag:s12] =	ssyncset.done $0x0  }
0x43: {  	[sflag:s12] =	ssyncadd.s32 $0xFFFFE000  }
0x44: {  	_ =	swait.ge [sflag:s12], $0x800  }
0x45: {  	[sflag:s12] =	ssyncset.done $0x0  }
0x46: {  	[sflag:s12] =	ssyncadd.s32 $0xFFFFF800  }
0x47: {  	[hbm4b:s15+s3] =	stream.linear.scatter [tilespmem:s10], [sflag:$0x2], $0x2000, $0x38;
	[tilespmem:$0x2880] =	vst v63  }
0x48: {  	s13 =	sadd.s32 $0x1, s13;
	_ =	swait.ge [sflag:s9], $0x2000  }
0x49: {  	p0 =	sne.s32 s13, s5;
	[sflag:s9] =	ssyncset.done $0x0  }
.Ltmp1:
0x4a: {  	[sflag:s9] =	ssyncadd.s32 $0xFFFFE000;
	(pc) =	sbr.rel @p0 .LBB2_1-.Ltmp1, $4  }
0x4b: {  	[hbm4b:s14+s3] =	stream.linear.scatter [tilespmem:s11], [sflag:$0x2], $0x800, $0x38;
	[tilespmem:$0x2880] =	vst v63  }
0x4c: {  	_ =	swait.ge [sflag:s9], $0x800  }
0x4d: {  	[sflag:s9] =	ssyncset.done $0x0  }
0x4e: {  	[sflag:s9] =	ssyncadd.s32 $0xFFFFF800  }
0x4f: {  	_ =	sfence.sel $0x180000  }
0x50: {  	[bflag:$0x0] =	sbarrier.arrive $0xFFFF  }
0x51: {  	p0 =	sne.s32 s1, $0x0;
	_ =	strace $0x90000047  }
0x52: {  	s0 =	sadd.s32 @!p0 $0x100000, s0;
	[bflag:$0x2] =	sbarrier.arrive $0xFFFF  }
0x53: {  	[sflag:s0] =	ssyncadd.tile.s32 @!p0 $0x1;
	_ =	shalt  }
.Lfunc_end2:
_tile_overlayer_lowered:
.L_overlay_start_2:
0x54: {  	(tag) =	ssettag $0x2  }
0x55: {  	s0 =	rddreg [dreg:$0x0];
	s2 =	stileid.u32  }
0x56: {  	s1 =	rddreg [dreg:$0x1];
	p0 =	sne.s32 s2, $0x0  }
0x57: {  	s3 =	rddreg [dreg:$0x2];
	[bflag:$0x3] =	sbarrier.arrive $0xFFFF;
	s2 =	simm.s32 @!p0 $0x1C02  }
0x58: {  	[timem:s3], [sflag:s2] =	dma.local @!p0 [hbm:s0], s1  }
0x59: {  	s0 =	simm.s32 @!p0 $0x2  }
0x5a: {  	_ =	swait.ge @!p0 [sflag:s0], s1  }
0x5b: {  	s1 =	ssub.s32 @!p0 $0x0, s1;
	[sflag:s0] =	ssyncset.done @!p0 $0x0  }
0x5c: {  	[sflag:s0] =	ssyncadd.s32 @!p0 s1  }
0x5d: {  	[bflag:$0x3] =	sbarrier.arrive $0xFFFF  }
0x5e: {  	_ =	shalt  }

</sc_bundles>
